<compile_context>
chip_gen: v7x
topology: tpu7x:2x2x1
jax: 0.10.2.dev20260603
libtpu: 0.0.44.dev20260713+nightly
codegen_flags: <defaults>
</compile_context>

<pallas_src>
import functools

import jax
import jax.numpy as jnp
from jax import lax
from jax.experimental import pallas as pl
from jax.experimental.pallas import tpu as pltpu
from jax.experimental.pallas import tpu_sc as plsc

N = 10000
TD = 128
K = 16
NPAD = 10240
DIN_H = TD + 3
DPAD = 136

R_KNN = 128
R_PQ = 512
R_CMB = 256

_INF = float("inf")



def _knn_body(xb_ref, xt_ref, out_ref):
    i = pl.program_id(0)
    xb = xb_ref[...]
    xt = xt_ref[...]
    g = lax.dot_general(xb, xt, (((1,), (0,)), ((), ())),
                        preferred_element_type=jnp.float32)
    csq = jnp.sum(xt * xt, axis=0, keepdims=True)
    col = lax.broadcasted_iota(jnp.int32, (R_KNN, NPAD), 1)
    row = i * R_KNN + lax.broadcasted_iota(jnp.int32, (R_KNN, NPAD), 0)
    e = csq - 2.0 * g
    e = jnp.where((col == row) | (col >= N), _INF, e)
    outs = []
    for _ in range(K):
        am = jnp.argmin(e, axis=1).astype(jnp.int32)[:, None]
        outs.append(am)
        e = jnp.where(col == am, _INF, e)
    out_ref[...] = jnp.concatenate(outs, axis=1)


def _knn(xyzp, xt):
    return pl.pallas_call(
        _knn_body,
        grid=(NPAD // R_KNN,),
        in_specs=[
            pl.BlockSpec((R_KNN, 8), lambda i: (i, 0)),
            pl.BlockSpec((8, NPAD), lambda i: (0, 0)),
        ],
        out_specs=pl.BlockSpec((R_KNN, K), lambda i: (i, 0)),
        out_shape=jax.ShapeDtypeStruct((NPAD, K), jnp.int32),
    )(xyzp, xt)



def _pq_body(x_ref, wp_ref, wq_ref, ba_ref, p_ref, q_ref):
    x = x_ref[...]
    p_ref[...] = jnp.dot(x, wp_ref[...],
                         preferred_element_type=jnp.float32) + ba_ref[...]
    q_ref[...] = jnp.dot(x, wq_ref[...], preferred_element_type=jnp.float32)


def _pq(x, wp, wq, ba):
    return pl.pallas_call(
        _pq_body,
        grid=(NPAD // R_PQ,),
        in_specs=[
            pl.BlockSpec((R_PQ, DPAD), lambda i: (i, 0)),
            pl.BlockSpec((DPAD, TD), lambda i: (0, 0)),
            pl.BlockSpec((DPAD, TD), lambda i: (0, 0)),
            pl.BlockSpec((1, TD), lambda i: (0, 0)),
        ],
        out_specs=[
            pl.BlockSpec((R_PQ, TD), lambda i: (i, 0)),
            pl.BlockSpec((R_PQ, TD), lambda i: (i, 0)),
        ],
        out_shape=[
            jax.ShapeDtypeStruct((NPAD, TD), jnp.float32),
            jax.ShapeDtypeStruct((NPAD, TD), jnp.float32),
        ],
    )(x, wp, wq, ba)



_NC_SC = 2
_NS_SC = 16
_NW = _NC_SC * _NS_SC
_B_EDGES = K * NPAD
KH = K // 2
_B_HALF = KH * NPAD
_B_PER_W = _B_HALF // _NW
_CH = 640
_N_CH = _B_PER_W // _CH


def _gather_body(table_hbm, idx_hbm, out_hbm, idx_v, rows_v, sem):
    wid = lax.axis_index("s") * _NC_SC + lax.axis_index("c")
    base = wid * _B_PER_W

    def chunk(c, carry):
        off = base + c * _CH
        pltpu.sync_copy(idx_hbm.at[pl.ds(off, _CH)], idx_v)
        pltpu.async_copy(table_hbm.at[idx_v], rows_v, sem).wait()
        pltpu.sync_copy(rows_v, out_hbm.at[pl.ds(off, _CH)])
        return carry

    lax.fori_loop(0, _N_CH, chunk, 0)


@functools.cache
def _gather_kernel():
    return pl.kernel(
        _gather_body,
        mesh=plsc.VectorSubcoreMesh(core_axis_name="c", subcore_axis_name="s",
                                    num_cores=_NC_SC, num_subcores=_NS_SC),
        out_type=jax.ShapeDtypeStruct((_B_HALF, TD), jnp.float32),
        scratch_types=[
            pltpu.VMEM((_CH,), jnp.int32),
            pltpu.VMEM((_CH, TD), jnp.float32),
            pltpu.SemaphoreType.DMA,
        ],
    )


def _gather(table, idx_flat):
    return _gather_kernel()(table, idx_flat)



def _combine_a_body(p_ref, g_ref, wb_ref, out_ref):
    p = p_ref[...]
    g = g_ref[...]
    h = jnp.maximum(g + p[None], 0.0)
    m = jnp.dot(h.reshape(KH * R_CMB, TD), wb_ref[...],
                preferred_element_type=jnp.float32)
    out_ref[...] = jnp.max(m.reshape(KH, R_CMB, TD), axis=0)


def _combine_b_body(p_ref, g_ref, wb_ref, bb_ref, part_ref, out_ref):
    p = p_ref[...]
    g = g_ref[...]
    h = jnp.maximum(g + p[None], 0.0)
    m = jnp.dot(h.reshape(KH * R_CMB, TD), wb_ref[...],
                preferred_element_type=jnp.float32)
    mx = jnp.max(m.reshape(KH, R_CMB, TD), axis=0)
    out_ref[...] = jnp.maximum(mx, part_ref[...]) + bb_ref[...]


def _combine(p, g_a, g_b, wb, bb):
    part = pl.pallas_call(
        _combine_a_body,
        grid=(NPAD // R_CMB,),
        in_specs=[
            pl.BlockSpec((R_CMB, TD), lambda i: (i, 0)),
            pl.BlockSpec((KH, R_CMB, TD), lambda i: (0, i, 0)),
            pl.BlockSpec((TD, TD), lambda i: (0, 0)),
        ],
        out_specs=pl.BlockSpec((R_CMB, TD), lambda i: (i, 0)),
        out_shape=jax.ShapeDtypeStruct((NPAD, TD), jnp.float32),
    )(p, g_a, wb)
    return pl.pallas_call(
        _combine_b_body,
        grid=(NPAD // R_CMB,),
        in_specs=[
            pl.BlockSpec((R_CMB, TD), lambda i: (i, 0)),
            pl.BlockSpec((KH, R_CMB, TD), lambda i: (0, i, 0)),
            pl.BlockSpec((TD, TD), lambda i: (0, 0)),
            pl.BlockSpec((1, TD), lambda i: (0, 0)),
            pl.BlockSpec((R_CMB, TD), lambda i: (i, 0)),
        ],
        out_specs=pl.BlockSpec((R_CMB, TD), lambda i: (i, 0)),
        out_shape=jax.ShapeDtypeStruct((NPAD, TD), jnp.float32),
    )(p, g_b, wb, bb, part)



def _layer(x, wa, ba, wb, bb, idx_lo, idx_hi):
    wp = jnp.zeros((DPAD, TD), jnp.float32).at[:DIN_H].set(
        wa[:DIN_H] - wa[DIN_H:])
    wq = jnp.zeros((DPAD, TD), jnp.float32).at[:DIN_H].set(wa[DIN_H:])
    p, q = _pq(x, wp, wq, ba.reshape(1, TD))
    g_a = _gather(q, idx_lo).reshape(KH, NPAD, TD)
    g_b = _gather(q, idx_hi).reshape(KH, NPAD, TD)
    return _combine(p, g_a, g_b, wb, bb.reshape(1, TD))


def kernel(xyz, feat, W1a, b1a, W1b, b1b, W2a, b2a, W2b, b2b):
    xyzp = jnp.zeros((NPAD, 8), jnp.float32).at[:N, :3].set(xyz)
    idx = _knn(xyzp, xyzp.T)
    idx_flat = idx.T.reshape(_B_EDGES)
    idx_lo = idx_flat[:_B_HALF]
    idx_hi = idx_flat[_B_HALF:]

    x1 = jnp.zeros((NPAD, DPAD), jnp.float32)
    x1 = x1.at[:N, :TD].set(feat).at[:N, TD:TD + 3].set(xyz)
    out1 = _layer(x1, W1a, b1a, W1b, b1b, idx_lo, idx_hi)

    x2 = jnp.zeros((NPAD, DPAD), jnp.float32)
    x2 = x2.at[:, :TD].set(out1).at[:N, TD:TD + 3].set(xyz)
    out2 = _layer(x2, W2a, b2a, W2b, b2b, idx_lo, idx_hi)
    return out2[:N]

# --- scband reference (transcript-rebuilt; emitter-appended) ---
"""Pipeline reference for scband-context-edge-conv-76063870812261 (READ-ONLY COPY).

The authoritative reference and input builder live on the scoring server;
editing this copy changes nothing except your own understanding.
"""

import jax, jax.numpy as jnp
import numpy as np

N = 10000
TD = 128
K = 16


def knn_graph(xyz, k):
    n = xyz.shape[0]
    sq = jnp.sum(xyz * xyz, axis=-1)
    d = sq[:, None] + sq[None, :] - 2.0 * (xyz @ xyz.T)
    d = d.at[jnp.arange(n), jnp.arange(n)].set(jnp.inf)
    _, idx = jax.lax.top_k(-d, k)
    src = idx.reshape(-1)
    dst = jnp.repeat(jnp.arange(n), k)
    return src, dst


def mlp(x, Wa, ba, Wb, bb):
    return jax.nn.relu(x @ Wa + ba) @ Wb + bb


def edge_conv(x, src, dst, Wa, ba, Wb, bb, n):
    xi = x[dst]
    xj = x[src]
    msg = mlp(jnp.concatenate([xi, xj - xi], axis=-1), Wa, ba, Wb, bb)
    return jax.ops.segment_max(msg, dst, num_segments=n)


def setup_inputs(seed: int = 0) -> dict:
    key = jax.random.key(seed)
    ks = jax.random.split(key, 8)
    d_in = 2 * (TD + 3)
    xyz = jax.random.normal(ks[0], (N, 3), dtype=jnp.float32)
    feat = jax.random.normal(ks[1], (N, TD), dtype=jnp.float32)
    W1a = jax.random.normal(ks[2], (d_in, TD), dtype=jnp.float32) * 0.02
    b1a = jnp.zeros((TD,), dtype=jnp.float32)
    W1b = jax.random.normal(ks[3], (TD, TD), dtype=jnp.float32) * 0.02
    b1b = jnp.zeros((TD,), dtype=jnp.float32)
    W2a = jax.random.normal(ks[4], (d_in, TD), dtype=jnp.float32) * 0.02
    b2a = jnp.zeros((TD,), dtype=jnp.float32)
    W2b = jax.random.normal(ks[5], (TD, TD), dtype=jnp.float32) * 0.02
    b2b = jnp.zeros((TD,), dtype=jnp.float32)
    return {"xyz": xyz, "feat": feat, "W1a": W1a, "b1a": b1a, "W1b": W1b, "b1b": b1b, "W2a": W2a, "b2a": b2a, "W2b": W2b, "b2b": b2b}


def reference(xyz, feat, W1a, b1a, W1b, b1b, W2a, b2a, W2b, b2b):
    n = xyz.shape[0]
    src, dst = knn_graph(xyz, K)
    x = jnp.concatenate([feat, xyz], axis=-1)
    x = edge_conv(x, src, dst, W1a, b1a, W1b, b1b, n)
    x = jnp.concatenate([x, xyz], axis=-1)
    x = edge_conv(x, src, dst, W2a, b2a, W2b, b2b, n)
    return x

if __name__ == "__main__":
    import jax
    _d = setup_inputs()
    print(jax.jit(kernel)(*tuple(_d.values())))

</pallas_src>

<mosaic_0001>
#map = affine_map<(d0, d1) -> (0, 0)>
#map1 = affine_map<(d0, d1) -> (0)>
module attributes {stable_mosaic.version = 14 : i64} {
  func.func @_gather_body(%arg0: i32, %arg1: i32, %arg2: memref<10240x128xf32, #tpu.memory_space<hbm>>, %arg3: memref<81920xi32, #tpu.memory_space<hbm>>, %arg4: memref<81920x128xf32, #tpu.memory_space<hbm>>, %arg5: memref<640xi32, #tpu.memory_space<vmem>>, %arg6: memref<640x128xf32, #tpu.memory_space<vmem>>, %arg7: memref<!tpu.dma_semaphore, #tpu.memory_space<semaphore_mem>>) attributes {dimension_semantics = [#tpu.dimension_semantics<core_parallel>, #tpu.dimension_semantics<subcore_parallel>], iteration_bounds = array<i64: 2, 16>, scalar_prefetch = 0 : i64, scratch_operands = 3 : i64, tpu.core_type = #tpu.core_type<sc_vector_subcore>, window_params = [{transform_indices = #map}, {transform_indices = #map1}, {transform_indices = #map}]} {
    %mul3A = arith.constant 2 : i32
    %mul3A_0 = arith.muli %arg1, %mul3A : i32
    %add3A = arith.addi %mul3A_0, %arg0 : i32
    %mul3A_1 = arith.constant 2560 : i32
    %mul3A_2 = arith.muli %add3A, %mul3A_1 : i32
    %scan3A = arith.constant 0 : i32
    %scan3A_3 = arith.constant 0 : i32
    %scan3A_4 = arith.constant 4 : i32
    %scan3A_5 = arith.addi %scan3A_3, %scan3A_4 : i32
    %scan3A_6 = arith.constant 1 : i32
    scf.for %scan3A_8 = %scan3A_3 to %scan3A_5 step %scan3A_6  : i32 {
      %mul3A_9 = arith.constant 640 : i32
      %mul3A_10 = arith.muli %scan3A_8, %mul3A_9 : i32
      %add3A_11 = arith.addi %mul3A_2, %mul3A_10 : i32
      "tpu.region"() ({
        %run_scoped3A = tpu.sem_alloc : memref<!tpu.dma_semaphore, #tpu.memory_space<semaphore_mem>>
        %dma_start3A_16 = tpu.memref_slice %arg3[%add3A_11] : memref<81920xi32, #tpu.memory_space<hbm>> -> memref<640xi32, #tpu.memory_space<hbm>>
        %dma_start3A_17 = tpu.memref_slice %arg3[%add3A_11] : memref<81920xi32, #tpu.memory_space<hbm>> -> memref<640xi32, #tpu.memory_space<hbm>>
        tpu.enqueue_dma source(%dma_start3A_17 : memref<640xi32, #tpu.memory_space<hbm>>) target(%arg5 : memref<640xi32, #tpu.memory_space<vmem>>) target_semaphore(%run_scoped3A : memref<!tpu.dma_semaphore, #tpu.memory_space<semaphore_mem>>)
        %dma_wait3A_18 = tpu.memref_slice %arg3[%add3A_11] : memref<81920xi32, #tpu.memory_space<hbm>> -> memref<640xi32, #tpu.memory_space<hbm>>
        %dma_wait3A_19 = tpu.memref_slice %arg3[%add3A_11] : memref<81920xi32, #tpu.memory_space<hbm>> -> memref<640xi32, #tpu.memory_space<hbm>>
        tpu.wait_dma2 semaphore(%run_scoped3A : memref<!tpu.dma_semaphore, #tpu.memory_space<semaphore_mem>>) src(%dma_wait3A_19 : memref<640xi32, #tpu.memory_space<hbm>>) dst(%arg5 : memref<640xi32, #tpu.memory_space<vmem>>)
        tpu.yield
      }) : () -> ()
      %dma_start3A = arith.constant 0 : i32
      %dma_start3A_12 = arith.constant 0 : i32
      %dma_start3A_13 = tpu.memref_slice %arg2[%dma_start3A, %dma_start3A_12] : memref<10240x128xf32, #tpu.memory_space<hbm>> -> memref<10240x128xf32, #tpu.memory_space<hbm>>
      tpu.enqueue_indirect_dma source(%dma_start3A_13 : memref<10240x128xf32, #tpu.memory_space<hbm>>) target(%arg6 : memref<640x128xf32, #tpu.memory_space<vmem>>) offsets(%arg5 : memref<640xi32, #tpu.memory_space<vmem>>) semaphore(%arg7 : memref<!tpu.dma_semaphore, #tpu.memory_space<semaphore_mem>>)
      %dma_wait3A = arith.constant 0 : i32
      %dma_wait3A_14 = arith.constant 0 : i32
      %dma_wait3A_15 = tpu.memref_slice %arg2[%dma_wait3A, %dma_wait3A_14] : memref<10240x128xf32, #tpu.memory_space<hbm>> -> memref<10240x128xf32, #tpu.memory_space<hbm>>
      tpu.wait_indirect_dma semaphore(%arg7 : memref<!tpu.dma_semaphore, #tpu.memory_space<semaphore_mem>>) src(%dma_wait3A_15 : memref<10240x128xf32, #tpu.memory_space<hbm>>) dst(%arg6 : memref<640x128xf32, #tpu.memory_space<vmem>>)
      "tpu.region"() ({
        %run_scoped3A = tpu.sem_alloc : memref<!tpu.dma_semaphore, #tpu.memory_space<semaphore_mem>>
        %dma_start3A_16 = arith.constant 0 : i32
        %dma_start3A_17 = tpu.memref_slice %arg4[%add3A_11, %dma_start3A_16] : memref<81920x128xf32, #tpu.memory_space<hbm>> -> memref<640x128xf32, #tpu.memory_space<hbm>>
        %dma_start3A_18 = arith.constant 0 : i32
        %dma_start3A_19 = tpu.memref_slice %arg4[%add3A_11, %dma_start3A_18] : memref<81920x128xf32, #tpu.memory_space<hbm>> -> memref<640x128xf32, #tpu.memory_space<hbm>>
        tpu.enqueue_dma source(%arg6 : memref<640x128xf32, #tpu.memory_space<vmem>>) target(%dma_start3A_19 : memref<640x128xf32, #tpu.memory_space<hbm>>) target_semaphore(%run_scoped3A : memref<!tpu.dma_semaphore, #tpu.memory_space<semaphore_mem>>)
        %dma_wait3A_20 = arith.constant 0 : i32
        %dma_wait3A_21 = tpu.memref_slice %arg4[%add3A_11, %dma_wait3A_20] : memref<81920x128xf32, #tpu.memory_space<hbm>> -> memref<640x128xf32, #tpu.memory_space<hbm>>
        %dma_wait3A_22 = arith.constant 0 : i32
        %dma_wait3A_23 = tpu.memref_slice %arg4[%add3A_11, %dma_wait3A_22] : memref<81920x128xf32, #tpu.memory_space<hbm>> -> memref<640x128xf32, #tpu.memory_space<hbm>>
        tpu.wait_dma2 semaphore(%run_scoped3A : memref<!tpu.dma_semaphore, #tpu.memory_space<semaphore_mem>>) src(%arg6 : memref<640x128xf32, #tpu.memory_space<vmem>>) dst(%dma_wait3A_23 : memref<640x128xf32, #tpu.memory_space<hbm>>)
        tpu.yield
      }) : () -> ()
    }
    %scan3A_7 = arith.constant 4 : i32
    return
  }
}

#map = affine_map<(d0, d1) -> (0, 0)>
#map1 = affine_map<(d0, d1) -> (0)>
module attributes {stable_mosaic.version = 14 : i64} {
  func.func @_gather_body(%arg0: i32, %arg1: i32, %arg2: memref<10240x128xf32, #tpu.memory_space<hbm>>, %arg3: memref<81920xi32, #tpu.memory_space<hbm>>, %arg4: memref<81920x128xf32, #tpu.memory_space<hbm>>, %arg5: memref<640xi32, #tpu.memory_space<vmem>>, %arg6: memref<640x128xf32, #tpu.memory_space<vmem>>, %arg7: memref<!tpu.dma_semaphore, #tpu.memory_space<semaphore_mem>>) attributes {dimension_semantics = [#tpu.dimension_semantics<core_parallel>, #tpu.dimension_semantics<subcore_parallel>], iteration_bounds = array<i64: 2, 16>, scalar_prefetch = 0 : i64, scratch_operands = 3 : i64, tpu.core_type = #tpu.core_type<sc_vector_subcore>, window_params = [{transform_indices = #map}, {transform_indices = #map1}, {transform_indices = #map}]} {
    %mul3A = arith.constant 2 : i32
    %mul3A_0 = arith.muli %arg1, %mul3A : i32
    %add3A = arith.addi %mul3A_0, %arg0 : i32
    %mul3A_1 = arith.constant 2560 : i32
    %mul3A_2 = arith.muli %add3A, %mul3A_1 : i32
    %scan3A = arith.constant 0 : i32
    %scan3A_3 = arith.constant 0 : i32
    %scan3A_4 = arith.constant 4 : i32
    %scan3A_5 = arith.addi %scan3A_3, %scan3A_4 : i32
    %scan3A_6 = arith.constant 1 : i32
    scf.for %scan3A_8 = %scan3A_3 to %scan3A_5 step %scan3A_6  : i32 {
      %mul3A_9 = arith.constant 640 : i32
      %mul3A_10 = arith.muli %scan3A_8, %mul3A_9 : i32
      %add3A_11 = arith.addi %mul3A_2, %mul3A_10 : i32
      "tpu.region"() ({
        %run_scoped3A = tpu.sem_alloc : memref<!tpu.dma_semaphore, #tpu.memory_space<semaphore_mem>>
        %dma_start3A_16 = tpu.memref_slice %arg3[%add3A_11] : memref<81920xi32, #tpu.memory_space<hbm>> -> memref<640xi32, #tpu.memory_space<hbm>>
        %dma_start3A_17 = tpu.memref_slice %arg3[%add3A_11] : memref<81920xi32, #tpu.memory_space<hbm>> -> memref<640xi32, #tpu.memory_space<hbm>>
        tpu.enqueue_dma source(%dma_start3A_17 : memref<640xi32, #tpu.memory_space<hbm>>) target(%arg5 : memref<640xi32, #tpu.memory_space<vmem>>) target_semaphore(%run_scoped3A : memref<!tpu.dma_semaphore, #tpu.memory_space<semaphore_mem>>)
        %dma_wait3A_18 = tpu.memref_slice %arg3[%add3A_11] : memref<81920xi32, #tpu.memory_space<hbm>> -> memref<640xi32, #tpu.memory_space<hbm>>
        %dma_wait3A_19 = tpu.memref_slice %arg3[%add3A_11] : memref<81920xi32, #tpu.memory_space<hbm>> -> memref<640xi32, #tpu.memory_space<hbm>>
        tpu.wait_dma2 semaphore(%run_scoped3A : memref<!tpu.dma_semaphore, #tpu.memory_space<semaphore_mem>>) src(%dma_wait3A_19 : memref<640xi32, #tpu.memory_space<hbm>>) dst(%arg5 : memref<640xi32, #tpu.memory_space<vmem>>)
        tpu.yield
      }) : () -> ()
      %dma_start3A = arith.constant 0 : i32
      %dma_start3A_12 = arith.constant 0 : i32
      %dma_start3A_13 = tpu.memref_slice %arg2[%dma_start3A, %dma_start3A_12] : memref<10240x128xf32, #tpu.memory_space<hbm>> -> memref<10240x128xf32, #tpu.memory_space<hbm>>
      tpu.enqueue_indirect_dma source(%dma_start3A_13 : memref<10240x128xf32, #tpu.memory_space<hbm>>) target(%arg6 : memref<640x128xf32, #tpu.memory_space<vmem>>) offsets(%arg5 : memref<640xi32, #tpu.memory_space<vmem>>) semaphore(%arg7 : memref<!tpu.dma_semaphore, #tpu.memory_space<semaphore_mem>>)
      %dma_wait3A = arith.constant 0 : i32
      %dma_wait3A_14 = arith.constant 0 : i32
      %dma_wait3A_15 = tpu.memref_slice %arg2[%dma_wait3A, %dma_wait3A_14] : memref<10240x128xf32, #tpu.memory_space<hbm>> -> memref<10240x128xf32, #tpu.memory_space<hbm>>
      tpu.wait_indirect_dma semaphore(%arg7 : memref<!tpu.dma_semaphore, #tpu.memory_space<semaphore_mem>>) src(%dma_wait3A_15 : memref<10240x128xf32, #tpu.memory_space<hbm>>) dst(%arg6 : memref<640x128xf32, #tpu.memory_space<vmem>>)
      "tpu.region"() ({
        %run_scoped3A = tpu.sem_alloc : memref<!tpu.dma_semaphore, #tpu.memory_space<semaphore_mem>>
        %dma_start3A_16 = arith.constant 0 : i32
        %dma_start3A_17 = tpu.memref_slice %arg4[%add3A_11, %dma_start3A_16] : memref<81920x128xf32, #tpu.memory_space<hbm>> -> memref<640x128xf32, #tpu.memory_space<hbm>>
        %dma_start3A_18 = arith.constant 0 : i32
        %dma_start3A_19 = tpu.memref_slice %arg4[%add3A_11, %dma_start3A_18] : memref<81920x128xf32, #tpu.memory_space<hbm>> -> memref<640x128xf32, #tpu.memory_space<hbm>>
        tpu.enqueue_dma source(%arg6 : memref<640x128xf32, #tpu.memory_space<vmem>>) target(%dma_start3A_19 : memref<640x128xf32, #tpu.memory_space<hbm>>) target_semaphore(%run_scoped3A : memref<!tpu.dma_semaphore, #tpu.memory_space<semaphore_mem>>)
        %dma_wait3A_20 = arith.constant 0 : i32
        %dma_wait3A_21 = tpu.memref_slice %arg4[%add3A_11, %dma_wait3A_20] : memref<81920x128xf32, #tpu.memory_space<hbm>> -> memref<640x128xf32, #tpu.memory_space<hbm>>
        %dma_wait3A_22 = arith.constant 0 : i32
        %dma_wait3A_23 = tpu.memref_slice %arg4[%add3A_11, %dma_wait3A_22] : memref<81920x128xf32, #tpu.memory_space<hbm>> -> memref<640x128xf32, #tpu.memory_space<hbm>>
        tpu.wait_dma2 semaphore(%run_scoped3A : memref<!tpu.dma_semaphore, #tpu.memory_space<semaphore_mem>>) src(%arg6 : memref<640x128xf32, #tpu.memory_space<vmem>>) dst(%dma_wait3A_23 : memref<640x128xf32, #tpu.memory_space<hbm>>)
        tpu.yield
      }) : () -> ()
    }
    %scan3A_7 = arith.constant 4 : i32
    return
  }
}

#map = affine_map<(d0, d1) -> (0, 0)>
#map1 = affine_map<(d0, d1) -> (0)>
module attributes {stable_mosaic.version = 14 : i64} {
  func.func @_gather_body(%arg0: i32, %arg1: i32, %arg2: memref<10240x128xf32, #tpu.memory_space<hbm>>, %arg3: memref<81920xi32, #tpu.memory_space<hbm>>, %arg4: memref<81920x128xf32, #tpu.memory_space<hbm>>, %arg5: memref<640xi32, #tpu.memory_space<vmem>>, %arg6: memref<640x128xf32, #tpu.memory_space<vmem>>, %arg7: memref<!tpu.dma_semaphore, #tpu.memory_space<semaphore_mem>>) attributes {dimension_semantics = [#tpu.dimension_semantics<core_parallel>, #tpu.dimension_semantics<subcore_parallel>], iteration_bounds = array<i64: 2, 16>, scalar_prefetch = 0 : i64, scratch_operands = 3 : i64, tpu.core_type = #tpu.core_type<sc_vector_subcore>, window_params = [{transform_indices = #map}, {transform_indices = #map1}, {transform_indices = #map}]} {
    %mul3A = arith.constant 2 : i32
    %mul3A_0 = arith.muli %arg1, %mul3A : i32
    %add3A = arith.addi %mul3A_0, %arg0 : i32
    %mul3A_1 = arith.constant 2560 : i32
    %mul3A_2 = arith.muli %add3A, %mul3A_1 : i32
    %scan3A = arith.constant 0 : i32
    %scan3A_3 = arith.constant 0 : i32
    %scan3A_4 = arith.constant 4 : i32
    %scan3A_5 = arith.addi %scan3A_3, %scan3A_4 : i32
    %scan3A_6 = arith.constant 1 : i32
    scf.for %scan3A_8 = %scan3A_3 to %scan3A_5 step %scan3A_6  : i32 {
      %mul3A_9 = arith.constant 640 : i32
      %mul3A_10 = arith.muli %scan3A_8, %mul3A_9 : i32
      %add3A_11 = arith.addi %mul3A_2, %mul3A_10 : i32
      "tpu.region"() ({
        %run_scoped3A = tpu.sem_alloc : memref<!tpu.dma_semaphore, #tpu.memory_space<semaphore_mem>>
        %dma_start3A_16 = tpu.memref_slice %arg3[%add3A_11] : memref<81920xi32, #tpu.memory_space<hbm>> -> memref<640xi32, #tpu.memory_space<hbm>>
        %dma_start3A_17 = tpu.memref_slice %arg3[%add3A_11] : memref<81920xi32, #tpu.memory_space<hbm>> -> memref<640xi32, #tpu.memory_space<hbm>>
        tpu.enqueue_dma source(%dma_start3A_17 : memref<640xi32, #tpu.memory_space<hbm>>) target(%arg5 : memref<640xi32, #tpu.memory_space<vmem>>) target_semaphore(%run_scoped3A : memref<!tpu.dma_semaphore, #tpu.memory_space<semaphore_mem>>)
        %dma_wait3A_18 = tpu.memref_slice %arg3[%add3A_11] : memref<81920xi32, #tpu.memory_space<hbm>> -> memref<640xi32, #tpu.memory_space<hbm>>
        %dma_wait3A_19 = tpu.memref_slice %arg3[%add3A_11] : memref<81920xi32, #tpu.memory_space<hbm>> -> memref<640xi32, #tpu.memory_space<hbm>>
        tpu.wait_dma2 semaphore(%run_scoped3A : memref<!tpu.dma_semaphore, #tpu.memory_space<semaphore_mem>>) src(%dma_wait3A_19 : memref<640xi32, #tpu.memory_space<hbm>>) dst(%arg5 : memref<640xi32, #tpu.memory_space<vmem>>)
        tpu.yield
      }) : () -> ()
      %dma_start3A = arith.constant 0 : i32
      %dma_start3A_12 = arith.constant 0 : i32
      %dma_start3A_13 = tpu.memref_slice %arg2[%dma_start3A, %dma_start3A_12] : memref<10240x128xf32, #tpu.memory_space<hbm>> -> memref<10240x128xf32, #tpu.memory_space<hbm>>
      tpu.enqueue_indirect_dma source(%dma_start3A_13 : memref<10240x128xf32, #tpu.memory_space<hbm>>) target(%arg6 : memref<640x128xf32, #tpu.memory_space<vmem>>) offsets(%arg5 : memref<640xi32, #tpu.memory_space<vmem>>) semaphore(%arg7 : memref<!tpu.dma_semaphore, #tpu.memory_space<semaphore_mem>>)
      %dma_wait3A = arith.constant 0 : i32
      %dma_wait3A_14 = arith.constant 0 : i32
      %dma_wait3A_15 = tpu.memref_slice %arg2[%dma_wait3A, %dma_wait3A_14] : memref<10240x128xf32, #tpu.memory_space<hbm>> -> memref<10240x128xf32, #tpu.memory_space<hbm>>
      tpu.wait_indirect_dma semaphore(%arg7 : memref<!tpu.dma_semaphore, #tpu.memory_space<semaphore_mem>>) src(%dma_wait3A_15 : memref<10240x128xf32, #tpu.memory_space<hbm>>) dst(%arg6 : memref<640x128xf32, #tpu.memory_space<vmem>>)
      "tpu.region"() ({
        %run_scoped3A = tpu.sem_alloc : memref<!tpu.dma_semaphore, #tpu.memory_space<semaphore_mem>>
        %dma_start3A_16 = arith.constant 0 : i32
        %dma_start3A_17 = tpu.memref_slice %arg4[%add3A_11, %dma_start3A_16] : memref<81920x128xf32, #tpu.memory_space<hbm>> -> memref<640x128xf32, #tpu.memory_space<hbm>>
        %dma_start3A_18 = arith.constant 0 : i32
        %dma_start3A_19 = tpu.memref_slice %arg4[%add3A_11, %dma_start3A_18] : memref<81920x128xf32, #tpu.memory_space<hbm>> -> memref<640x128xf32, #tpu.memory_space<hbm>>
        tpu.enqueue_dma source(%arg6 : memref<640x128xf32, #tpu.memory_space<vmem>>) target(%dma_start3A_19 : memref<640x128xf32, #tpu.memory_space<hbm>>) target_semaphore(%run_scoped3A : memref<!tpu.dma_semaphore, #tpu.memory_space<semaphore_mem>>)
        %dma_wait3A_20 = arith.constant 0 : i32
        %dma_wait3A_21 = tpu.memref_slice %arg4[%add3A_11, %dma_wait3A_20] : memref<81920x128xf32, #tpu.memory_space<hbm>> -> memref<640x128xf32, #tpu.memory_space<hbm>>
        %dma_wait3A_22 = arith.constant 0 : i32
        %dma_wait3A_23 = tpu.memref_slice %arg4[%add3A_11, %dma_wait3A_22] : memref<81920x128xf32, #tpu.memory_space<hbm>> -> memref<640x128xf32, #tpu.memory_space<hbm>>
        tpu.wait_dma2 semaphore(%run_scoped3A : memref<!tpu.dma_semaphore, #tpu.memory_space<semaphore_mem>>) src(%arg6 : memref<640x128xf32, #tpu.memory_space<vmem>>) dst(%dma_wait3A_23 : memref<640x128xf32, #tpu.memory_space<hbm>>)
        tpu.yield
      }) : () -> ()
    }
    %scan3A_7 = arith.constant 4 : i32
    return
  }
}

#map = affine_map<(d0, d1) -> (0, 0)>
#map1 = affine_map<(d0, d1) -> (0)>
module attributes {stable_mosaic.version = 14 : i64} {
  func.func @_gather_body(%arg0: i32, %arg1: i32, %arg2: memref<10240x128xf32, #tpu.memory_space<hbm>>, %arg3: memref<81920xi32, #tpu.memory_space<hbm>>, %arg4: memref<81920x128xf32, #tpu.memory_space<hbm>>, %arg5: memref<640xi32, #tpu.memory_space<vmem>>, %arg6: memref<640x128xf32, #tpu.memory_space<vmem>>, %arg7: memref<!tpu.dma_semaphore, #tpu.memory_space<semaphore_mem>>) attributes {dimension_semantics = [#tpu.dimension_semantics<core_parallel>, #tpu.dimension_semantics<subcore_parallel>], iteration_bounds = array<i64: 2, 16>, scalar_prefetch = 0 : i64, scratch_operands = 3 : i64, tpu.core_type = #tpu.core_type<sc_vector_subcore>, window_params = [{transform_indices = #map}, {transform_indices = #map1}, {transform_indices = #map}]} {
    %mul3A = arith.constant 2 : i32
    %mul3A_0 = arith.muli %arg1, %mul3A : i32
    %add3A = arith.addi %mul3A_0, %arg0 : i32
    %mul3A_1 = arith.constant 2560 : i32
    %mul3A_2 = arith.muli %add3A, %mul3A_1 : i32
    %scan3A = arith.constant 0 : i32
    %scan3A_3 = arith.constant 0 : i32
    %scan3A_4 = arith.constant 4 : i32
    %scan3A_5 = arith.addi %scan3A_3, %scan3A_4 : i32
    %scan3A_6 = arith.constant 1 : i32
    scf.for %scan3A_8 = %scan3A_3 to %scan3A_5 step %scan3A_6  : i32 {
      %mul3A_9 = arith.constant 640 : i32
      %mul3A_10 = arith.muli %scan3A_8, %mul3A_9 : i32
      %add3A_11 = arith.addi %mul3A_2, %mul3A_10 : i32
      "tpu.region"() ({
        %run_scoped3A = tpu.sem_alloc : memref<!tpu.dma_semaphore, #tpu.memory_space<semaphore_mem>>
        %dma_start3A_16 = tpu.memref_slice %arg3[%add3A_11] : memref<81920xi32, #tpu.memory_space<hbm>> -> memref<640xi32, #tpu.memory_space<hbm>>
        %dma_start3A_17 = tpu.memref_slice %arg3[%add3A_11] : memref<81920xi32, #tpu.memory_space<hbm>> -> memref<640xi32, #tpu.memory_space<hbm>>
        tpu.enqueue_dma source(%dma_start3A_17 : memref<640xi32, #tpu.memory_space<hbm>>) target(%arg5 : memref<640xi32, #tpu.memory_space<vmem>>) target_semaphore(%run_scoped3A : memref<!tpu.dma_semaphore, #tpu.memory_space<semaphore_mem>>)
        %dma_wait3A_18 = tpu.memref_slice %arg3[%add3A_11] : memref<81920xi32, #tpu.memory_space<hbm>> -> memref<640xi32, #tpu.memory_space<hbm>>
        %dma_wait3A_19 = tpu.memref_slice %arg3[%add3A_11] : memref<81920xi32, #tpu.memory_space<hbm>> -> memref<640xi32, #tpu.memory_space<hbm>>
        tpu.wait_dma2 semaphore(%run_scoped3A : memref<!tpu.dma_semaphore, #tpu.memory_space<semaphore_mem>>) src(%dma_wait3A_19 : memref<640xi32, #tpu.memory_space<hbm>>) dst(%arg5 : memref<640xi32, #tpu.memory_space<vmem>>)
        tpu.yield
      }) : () -> ()
      %dma_start3A = arith.constant 0 : i32
      %dma_start3A_12 = arith.constant 0 : i32
      %dma_start3A_13 = tpu.memref_slice %arg2[%dma_start3A, %dma_start3A_12] : memref<10240x128xf32, #tpu.memory_space<hbm>> -> memref<10240x128xf32, #tpu.memory_space<hbm>>
      tpu.enqueue_indirect_dma source(%dma_start3A_13 : memref<10240x128xf32, #tpu.memory_space<hbm>>) target(%arg6 : memref<640x128xf32, #tpu.memory_space<vmem>>) offsets(%arg5 : memref<640xi32, #tpu.memory_space<vmem>>) semaphore(%arg7 : memref<!tpu.dma_semaphore, #tpu.memory_space<semaphore_mem>>)
      %dma_wait3A = arith.constant 0 : i32
      %dma_wait3A_14 = arith.constant 0 : i32
      %dma_wait3A_15 = tpu.memref_slice %arg2[%dma_wait3A, %dma_wait3A_14] : memref<10240x128xf32, #tpu.memory_space<hbm>> -> memref<10240x128xf32, #tpu.memory_space<hbm>>
      tpu.wait_indirect_dma semaphore(%arg7 : memref<!tpu.dma_semaphore, #tpu.memory_space<semaphore_mem>>) src(%dma_wait3A_15 : memref<10240x128xf32, #tpu.memory_space<hbm>>) dst(%arg6 : memref<640x128xf32, #tpu.memory_space<vmem>>)
      "tpu.region"() ({
        %run_scoped3A = tpu.sem_alloc : memref<!tpu.dma_semaphore, #tpu.memory_space<semaphore_mem>>
        %dma_start3A_16 = arith.constant 0 : i32
        %dma_start3A_17 = tpu.memref_slice %arg4[%add3A_11, %dma_start3A_16] : memref<81920x128xf32, #tpu.memory_space<hbm>> -> memref<640x128xf32, #tpu.memory_space<hbm>>
        %dma_start3A_18 = arith.constant 0 : i32
        %dma_start3A_19 = tpu.memref_slice %arg4[%add3A_11, %dma_start3A_18] : memref<81920x128xf32, #tpu.memory_space<hbm>> -> memref<640x128xf32, #tpu.memory_space<hbm>>
        tpu.enqueue_dma source(%arg6 : memref<640x128xf32, #tpu.memory_space<vmem>>) target(%dma_start3A_19 : memref<640x128xf32, #tpu.memory_space<hbm>>) target_semaphore(%run_scoped3A : memref<!tpu.dma_semaphore, #tpu.memory_space<semaphore_mem>>)
        %dma_wait3A_20 = arith.constant 0 : i32
        %dma_wait3A_21 = tpu.memref_slice %arg4[%add3A_11, %dma_wait3A_20] : memref<81920x128xf32, #tpu.memory_space<hbm>> -> memref<640x128xf32, #tpu.memory_space<hbm>>
        %dma_wait3A_22 = arith.constant 0 : i32
        %dma_wait3A_23 = tpu.memref_slice %arg4[%add3A_11, %dma_wait3A_22] : memref<81920x128xf32, #tpu.memory_space<hbm>> -> memref<640x128xf32, #tpu.memory_space<hbm>>
        tpu.wait_dma2 semaphore(%run_scoped3A : memref<!tpu.dma_semaphore, #tpu.memory_space<semaphore_mem>>) src(%arg6 : memref<640x128xf32, #tpu.memory_space<vmem>>) dst(%dma_wait3A_23 : memref<640x128xf32, #tpu.memory_space<hbm>>)
        tpu.yield
      }) : () -> ()
    }
    %scan3A_7 = arith.constant 4 : i32
    return
  }
}

module attributes {stable_mosaic.version = 14 : i64} {
  func.func @_knn_body(%arg0: i32, %arg1: memref<128x8xf32, #tpu.memory_space<vmem>>, %arg2: memref<8x10240xf32, #tpu.memory_space<vmem>>, %arg3: memref<128x16xi32, #tpu.memory_space<vmem>>) attributes {dimension_semantics = [#tpu.dimension_semantics<arbitrary>], iteration_bounds = array<i64: 80>, scalar_prefetch = 0 : i64, scratch_operands = 0 : i64, tpu.core_type = #tpu.core_type<tc>, window_params = [{transform_indices = @transform_0, window_bounds = array<i64: 128, 8>}, {pipeline_mode = #tpu.pipeline_mode<synchronous>, transform_indices = @transform_1, window_bounds = array<i64: 8, 10240>}, {transform_indices = @transform_2, window_bounds = array<i64: 128, 16>}]} {
    %get3A = arith.constant 0 : index
    %get3A_0 = arith.constant 0 : index
    %get3A_1 = vector.load %arg1[%get3A, %get3A_0] : memref<128x8xf32, #tpu.memory_space<vmem>>, vector<128x8xf32>
    %get3A_2 = arith.constant 0 : index
    %get3A_3 = arith.constant 0 : index
    %get3A_4 = vector.load %arg2[%get3A_2, %get3A_3] : memref<8x10240xf32, #tpu.memory_space<vmem>>, vector<8x10240xf32>
    %dot_general3A = arith.constant dense<0.000000e+00> : vector<128x10240xf32>
    %dot_general3A_5 = tpu.matmul %get3A_1, %get3A_4, %dot_general3A {dimension_numbers = #tpu.dot_dimension_numbers<[1], [0], [0], [1], [0, 0, 1, 1], [], []>, transpose_lhs_hint = false} : vector<128x8xf32>, vector<8x10240xf32>, vector<128x10240xf32> -> vector<128x10240xf32>
    %mul3A = arith.mulf %get3A_4, %get3A_4 : vector<8x10240xf32>
    %reduce_sum3A = arith.constant dense<0.000000e+00> : vector<10240xf32>
    %reduce_sum3A_6 = vector.multi_reduction <add>, %mul3A, %reduce_sum3A [0] : vector<8x10240xf32> to vector<10240xf32>
    %broadcast_in_dim3A = vector.shape_cast %reduce_sum3A_6 : vector<10240xf32> to vector<1x10240xf32>
    %iota3A = tpu.iota {dimensions = array<i32: 1>} : vector<128x10240xi32>
    %mul3A_7 = arith.constant 128 : i32
    %mul3A_8 = arith.muli %arg0, %mul3A_7 : i32
    %iota3A_9 = tpu.iota {dimensions = array<i32: 0>} : vector<128x10240xi32>
    %add3A = vector.broadcast %mul3A_8 : i32 to vector<128x10240xi32>
    %add3A_10 = arith.addi %add3A, %iota3A_9 : vector<128x10240xi32>
    %mul3A_11 = arith.constant 2.000000e+00 : f32
    %mul3A_12 = vector.broadcast %mul3A_11 : f32 to vector<128x10240xf32>
    %mul3A_13 = arith.mulf %mul3A_12, %dot_general3A_5 : vector<128x10240xf32>
    %sub3A = vector.broadcast %broadcast_in_dim3A : vector<1x10240xf32> to vector<128x10240xf32>
    %sub3A_14 = arith.subf %sub3A, %mul3A_13 : vector<128x10240xf32>
    %eq3A = arith.cmpi eq, %iota3A, %add3A_10 : vector<128x10240xi32>
    %ge3A = arith.constant 10000 : i32
    %ge3A_15 = vector.broadcast %ge3A : i32 to vector<128x10240xi32>
    %ge3A_16 = arith.cmpi sge, %iota3A, %ge3A_15 : vector<128x10240xi32>
    %or3A = arith.ori %eq3A, %ge3A_16 : vector<128x10240xi1>
    %jit3A = arith.constant 0x7F800000 : f32
    %broadcast_in_dim3A_17 = vector.broadcast %jit3A : f32 to vector<128x10240xf32>
    %select_n3A = arith.select %or3A, %broadcast_in_dim3A_17, %sub3A_14 : vector<128x10240xi1>, vector<128x10240xf32>
    %argmin3A = tpu.reduce_index %select_n3A {axis = 1 : i32, kind = #tpu.reduction_kind<arg_min>} : vector<128x10240xf32> -> vector<128xi32>
    %broadcast_in_dim3A_18 = vector.shape_cast %argmin3A : vector<128xi32> to vector<128x1xi32>
    %eq3A_19 = vector.broadcast %broadcast_in_dim3A_18 : vector<128x1xi32> to vector<128x10240xi32>
    %eq3A_20 = arith.cmpi eq, %iota3A, %eq3A_19 : vector<128x10240xi32>
    %jit3A_21 = arith.constant 0x7F800000 : f32
    %broadcast_in_dim3A_22 = vector.broadcast %jit3A_21 : f32 to vector<128x10240xf32>
    %select_n3A_23 = arith.select %eq3A_20, %broadcast_in_dim3A_22, %select_n3A : vector<128x10240xi1>, vector<128x10240xf32>
    %argmin3A_24 = tpu.reduce_index %select_n3A_23 {axis = 1 : i32, kind = #tpu.reduction_kind<arg_min>} : vector<128x10240xf32> -> vector<128xi32>
    %broadcast_in_dim3A_25 = vector.shape_cast %argmin3A_24 : vector<128xi32> to vector<128x1xi32>
    %eq3A_26 = vector.broadcast %broadcast_in_dim3A_25 : vector<128x1xi32> to vector<128x10240xi32>
    %eq3A_27 = arith.cmpi eq, %iota3A, %eq3A_26 : vector<128x10240xi32>
    %jit3A_28 = arith.constant 0x7F800000 : f32
    %broadcast_in_dim3A_29 = vector.broadcast %jit3A_28 : f32 to vector<128x10240xf32>
    %select_n3A_30 = arith.select %eq3A_27, %broadcast_in_dim3A_29, %select_n3A_23 : vector<128x10240xi1>, vector<128x10240xf32>
    %argmin3A_31 = tpu.reduce_index %select_n3A_30 {axis = 1 : i32, kind = #tpu.reduction_kind<arg_min>} : vector<128x10240xf32> -> vector<128xi32>
    %broadcast_in_dim3A_32 = vector.shape_cast %argmin3A_31 : vector<128xi32> to vector<128x1xi32>
    %eq3A_33 = vector.broadcast %broadcast_in_dim3A_32 : vector<128x1xi32> to vector<128x10240xi32>
    %eq3A_34 = arith.cmpi eq, %iota3A, %eq3A_33 : vector<128x10240xi32>
    %jit3A_35 = arith.constant 0x7F800000 : f32
    %broadcast_in_dim3A_36 = vector.broadcast %jit3A_35 : f32 to vector<128x10240xf32>
    %select_n3A_37 = arith.select %eq3A_34, %broadcast_in_dim3A_36, %select_n3A_30 : vector<128x10240xi1>, vector<128x10240xf32>
    %argmin3A_38 = tpu.reduce_index %select_n3A_37 {axis = 1 : i32, kind = #tpu.reduction_kind<arg_min>} : vector<128x10240xf32> -> vector<128xi32>
    %broadcast_in_dim3A_39 = vector.shape_cast %argmin3A_38 : vector<128xi32> to vector<128x1xi32>
    %eq3A_40 = vector.broadcast %broadcast_in_dim3A_39 : vector<128x1xi32> to vector<128x10240xi32>
    %eq3A_41 = arith.cmpi eq, %iota3A, %eq3A_40 : vector<128x10240xi32>
    %jit3A_42 = arith.constant 0x7F800000 : f32
    %broadcast_in_dim3A_43 = vector.broadcast %jit3A_42 : f32 to vector<128x10240xf32>
    %select_n3A_44 = arith.select %eq3A_41, %broadcast_in_dim3A_43, %select_n3A_37 : vector<128x10240xi1>, vector<128x10240xf32>
    %argmin3A_45 = tpu.reduce_index %select_n3A_44 {axis = 1 : i32, kind = #tpu.reduction_kind<arg_min>} : vector<128x10240xf32> -> vector<128xi32>
    %broadcast_in_dim3A_46 = vector.shape_cast %argmin3A_45 : vector<128xi32> to vector<128x1xi32>
    %eq3A_47 = vector.broadcast %broadcast_in_dim3A_46 : vector<128x1xi32> to vector<128x10240xi32>
    %eq3A_48 = arith.cmpi eq, %iota3A, %eq3A_47 : vector<128x10240xi32>
    %jit3A_49 = arith.constant 0x7F800000 : f32
    %broadcast_in_dim3A_50 = vector.broadcast %jit3A_49 : f32 to vector<128x10240xf32>
    %select_n3A_51 = arith.select %eq3A_48, %broadcast_in_dim3A_50, %select_n3A_44 : vector<128x10240xi1>, vector<128x10240xf32>
    %argmin3A_52 = tpu.reduce_index %select_n3A_51 {axis = 1 : i32, kind = #tpu.reduction_kind<arg_min>} : vector<128x10240xf32> -> vector<128xi32>
    %broadcast_in_dim3A_53 = vector.shape_cast %argmin3A_52 : vector<128xi32> to vector<128x1xi32>
    %eq3A_54 = vector.broadcast %broadcast_in_dim3A_53 : vector<128x1xi32> to vector<128x10240xi32>
    %eq3A_55 = arith.cmpi eq, %iota3A, %eq3A_54 : vector<128x10240xi32>
    %jit3A_56 = arith.constant 0x7F800000 : f32
    %broadcast_in_dim3A_57 = vector.broadcast %jit3A_56 : f32 to vector<128x10240xf32>
    %select_n3A_58 = arith.select %eq3A_55, %broadcast_in_dim3A_57, %select_n3A_51 : vector<128x10240xi1>, vector<128x10240xf32>
    %argmin3A_59 = tpu.reduce_index %select_n3A_58 {axis = 1 : i32, kind = #tpu.reduction_kind<arg_min>} : vector<128x10240xf32> -> vector<128xi32>
    %broadcast_in_dim3A_60 = vector.shape_cast %argmin3A_59 : vector<128xi32> to vector<128x1xi32>
    %eq3A_61 = vector.broadcast %broadcast_in_dim3A_60 : vector<128x1xi32> to vector<128x10240xi32>
    %eq3A_62 = arith.cmpi eq, %iota3A, %eq3A_61 : vector<128x10240xi32>
    %jit3A_63 = arith.constant 0x7F800000 : f32
    %broadcast_in_dim3A_64 = vector.broadcast %jit3A_63 : f32 to vector<128x10240xf32>
    %select_n3A_65 = arith.select %eq3A_62, %broadcast_in_dim3A_64, %select_n3A_58 : vector<128x10240xi1>, vector<128x10240xf32>
    %argmin3A_66 = tpu.reduce_index %select_n3A_65 {axis = 1 : i32, kind = #tpu.reduction_kind<arg_min>} : vector<128x10240xf32> -> vector<128xi32>
    %broadcast_in_dim3A_67 = vector.shape_cast %argmin3A_66 : vector<128xi32> to vector<128x1xi32>
    %eq3A_68 = vector.broadcast %broadcast_in_dim3A_67 : vector<128x1xi32> to vector<128x10240xi32>
    %eq3A_69 = arith.cmpi eq, %iota3A, %eq3A_68 : vector<128x10240xi32>
    %jit3A_70 = arith.constant 0x7F800000 : f32
    %broadcast_in_dim3A_71 = vector.broadcast %jit3A_70 : f32 to vector<128x10240xf32>
    %select_n3A_72 = arith.select %eq3A_69, %broadcast_in_dim3A_71, %select_n3A_65 : vector<128x10240xi1>, vector<128x10240xf32>
    %argmin3A_73 = tpu.reduce_index %select_n3A_72 {axis = 1 : i32, kind = #tpu.reduction_kind<arg_min>} : vector<128x10240xf32> -> vector<128xi32>
    %broadcast_in_dim3A_74 = vector.shape_cast %argmin3A_73 : vector<128xi32> to vector<128x1xi32>
    %eq3A_75 = vector.broadcast %broadcast_in_dim3A_74 : vector<128x1xi32> to vector<128x10240xi32>
    %eq3A_76 = arith.cmpi eq, %iota3A, %eq3A_75 : vector<128x10240xi32>
    %jit3A_77 = arith.constant 0x7F800000 : f32
    %broadcast_in_dim3A_78 = vector.broadcast %jit3A_77 : f32 to vector<128x10240xf32>
    %select_n3A_79 = arith.select %eq3A_76, %broadcast_in_dim3A_78, %select_n3A_72 : vector<128x10240xi1>, vector<128x10240xf32>
    %argmin3A_80 = tpu.reduce_index %select_n3A_79 {axis = 1 : i32, kind = #tpu.reduction_kind<arg_min>} : vector<128x10240xf32> -> vector<128xi32>
    %broadcast_in_dim3A_81 = vector.shape_cast %argmin3A_80 : vector<128xi32> to vector<128x1xi32>
    %eq3A_82 = vector.broadcast %broadcast_in_dim3A_81 : vector<128x1xi32> to vector<128x10240xi32>
    %eq3A_83 = arith.cmpi eq, %iota3A, %eq3A_82 : vector<128x10240xi32>
    %jit3A_84 = arith.constant 0x7F800000 : f32
    %broadcast_in_dim3A_85 = vector.broadcast %jit3A_84 : f32 to vector<128x10240xf32>
    %select_n3A_86 = arith.select %eq3A_83, %broadcast_in_dim3A_85, %select_n3A_79 : vector<128x10240xi1>, vector<128x10240xf32>
    %argmin3A_87 = tpu.reduce_index %select_n3A_86 {axis = 1 : i32, kind = #tpu.reduction_kind<arg_min>} : vector<128x10240xf32> -> vector<128xi32>
    %broadcast_in_dim3A_88 = vector.shape_cast %argmin3A_87 : vector<128xi32> to vector<128x1xi32>
    %eq3A_89 = vector.broadcast %broadcast_in_dim3A_88 : vector<128x1xi32> to vector<128x10240xi32>
    %eq3A_90 = arith.cmpi eq, %iota3A, %eq3A_89 : vector<128x10240xi32>
    %jit3A_91 = arith.constant 0x7F800000 : f32
    %broadcast_in_dim3A_92 = vector.broadcast %jit3A_91 : f32 to vector<128x10240xf32>
    %select_n3A_93 = arith.select %eq3A_90, %broadcast_in_dim3A_92, %select_n3A_86 : vector<128x10240xi1>, vector<128x10240xf32>
    %argmin3A_94 = tpu.reduce_index %select_n3A_93 {axis = 1 : i32, kind = #tpu.reduction_kind<arg_min>} : vector<128x10240xf32> -> vector<128xi32>
    %broadcast_in_dim3A_95 = vector.shape_cast %argmin3A_94 : vector<128xi32> to vector<128x1xi32>
    %eq3A_96 = vector.broadcast %broadcast_in_dim3A_95 : vector<128x1xi32> to vector<128x10240xi32>
    %eq3A_97 = arith.cmpi eq, %iota3A, %eq3A_96 : vector<128x10240xi32>
    %jit3A_98 = arith.constant 0x7F800000 : f32
    %broadcast_in_dim3A_99 = vector.broadcast %jit3A_98 : f32 to vector<128x10240xf32>
    %select_n3A_100 = arith.select %eq3A_97, %broadcast_in_dim3A_99, %select_n3A_93 : vector<128x10240xi1>, vector<128x10240xf32>
    %argmin3A_101 = tpu.reduce_index %select_n3A_100 {axis = 1 : i32, kind = #tpu.reduction_kind<arg_min>} : vector<128x10240xf32> -> vector<128xi32>
    %broadcast_in_dim3A_102 = vector.shape_cast %argmin3A_101 : vector<128xi32> to vector<128x1xi32>
    %eq3A_103 = vector.broadcast %broadcast_in_dim3A_102 : vector<128x1xi32> to vector<128x10240xi32>
    %eq3A_104 = arith.cmpi eq, %iota3A, %eq3A_103 : vector<128x10240xi32>
    %jit3A_105 = arith.constant 0x7F800000 : f32
    %broadcast_in_dim3A_106 = vector.broadcast %jit3A_105 : f32 to vector<128x10240xf32>
    %select_n3A_107 = arith.select %eq3A_104, %broadcast_in_dim3A_106, %select_n3A_100 : vector<128x10240xi1>, vector<128x10240xf32>
    %argmin3A_108 = tpu.reduce_index %select_n3A_107 {axis = 1 : i32, kind = #tpu.reduction_kind<arg_min>} : vector<128x10240xf32> -> vector<128xi32>
    %broadcast_in_dim3A_109 = vector.shape_cast %argmin3A_108 : vector<128xi32> to vector<128x1xi32>
    %eq3A_110 = vector.broadcast %broadcast_in_dim3A_109 : vector<128x1xi32> to vector<128x10240xi32>
    %eq3A_111 = arith.cmpi eq, %iota3A, %eq3A_110 : vector<128x10240xi32>
    %jit3A_112 = arith.constant 0x7F800000 : f32
    %broadcast_in_dim3A_113 = vector.broadcast %jit3A_112 : f32 to vector<128x10240xf32>
    %select_n3A_114 = arith.select %eq3A_111, %broadcast_in_dim3A_113, %select_n3A_107 : vector<128x10240xi1>, vector<128x10240xf32>
    %argmin3A_115 = tpu.reduce_index %select_n3A_114 {axis = 1 : i32, kind = #tpu.reduction_kind<arg_min>} : vector<128x10240xf32> -> vector<128xi32>
    %broadcast_in_dim3A_116 = vector.shape_cast %argmin3A_115 : vector<128xi32> to vector<128x1xi32>
    %eq3A_117 = vector.broadcast %broadcast_in_dim3A_116 : vector<128x1xi32> to vector<128x10240xi32>
    %eq3A_118 = arith.cmpi eq, %iota3A, %eq3A_117 : vector<128x10240xi32>
    %jit3A_119 = arith.constant 0x7F800000 : f32
    %broadcast_in_dim3A_120 = vector.broadcast %jit3A_119 : f32 to vector<128x10240xf32>
    %select_n3A_121 = arith.select %eq3A_118, %broadcast_in_dim3A_120, %select_n3A_114 : vector<128x10240xi1>, vector<128x10240xf32>
    %argmin3A_122 = tpu.reduce_index %select_n3A_121 {axis = 1 : i32, kind = #tpu.reduction_kind<arg_min>} : vector<128x10240xf32> -> vector<128xi32>
    %broadcast_in_dim3A_123 = vector.shape_cast %argmin3A_122 : vector<128xi32> to vector<128x1xi32>
    %concatenate3A = tpu.concatenate %broadcast_in_dim3A_18, %broadcast_in_dim3A_25, %broadcast_in_dim3A_32, %broadcast_in_dim3A_39, %broadcast_in_dim3A_46, %broadcast_in_dim3A_53, %broadcast_in_dim3A_60, %broadcast_in_dim3A_67, %broadcast_in_dim3A_74, %broadcast_in_dim3A_81, %broadcast_in_dim3A_88, %broadcast_in_dim3A_95, %broadcast_in_dim3A_102, %broadcast_in_dim3A_109, %broadcast_in_dim3A_116, %broadcast_in_dim3A_123 in 1 : vector<128x1xi32>, vector<128x1xi32>, vector<128x1xi32>, vector<128x1xi32>, vector<128x1xi32>, vector<128x1xi32>, vector<128x1xi32>, vector<128x1xi32>, vector<128x1xi32>, vector<128x1xi32>, vector<128x1xi32>, vector<128x1xi32>, vector<128x1xi32>, vector<128x1xi32>, vector<128x1xi32>, vector<128x1xi32> -> vector<128x16xi32>
    %swap3A = arith.constant 0 : index
    %swap3A_124 = arith.constant 0 : index
    %swap3A_125 = vector.load %arg3[%swap3A, %swap3A_124] : memref<128x16xi32, #tpu.memory_space<vmem>>, vector<128x16xi32>
    tpu.vector_store %arg3[%swap3A, %swap3A_124], %concatenate3A {strides = array<i32>} : memref<128x16xi32, #tpu.memory_space<vmem>>, vector<128x16xi32>,
    return
  }
  func.func @transform_0(%arg0: i32) -> (i32, i32) {
    %c0_i32 = arith.constant 0 : i32
    %c0_i32_0 = arith.constant 0 : i32
    return %arg0, %c0_i32 : i32, i32
  }
  func.func @transform_1(%arg0: i32) -> (i32, i32) {
    %c0_i32 = arith.constant 0 : i32
    %c0_i32_0 = arith.constant 0 : i32
    %c0_i32_1 = arith.constant 0 : i32
    return %c0_i32, %c0_i32_0 : i32, i32
  }
  func.func @transform_2(%arg0: i32) -> (i32, i32) {
    %c0_i32 = arith.constant 0 : i32
    %c0_i32_0 = arith.constant 0 : i32
    return %arg0, %c0_i32 : i32, i32
  }
}

module attributes {stable_mosaic.version = 14 : i64} {
  func.func @_pq_body(%arg0: i32, %arg1: memref<512x136xf32, #tpu.memory_space<vmem>>, %arg2: memref<136x128xf32, #tpu.memory_space<vmem>>, %arg3: memref<136x128xf32, #tpu.memory_space<vmem>>, %arg4: memref<1x128xf32, #tpu.memory_space<vmem>>, %arg5: memref<512x128xf32, #tpu.memory_space<vmem>>, %arg6: memref<512x128xf32, #tpu.memory_space<vmem>>) attributes {dimension_semantics = [#tpu.dimension_semantics<arbitrary>], iteration_bounds = array<i64: 20>, scalar_prefetch = 0 : i64, scratch_operands = 0 : i64, tpu.core_type = #tpu.core_type<tc>, window_params = [{transform_indices = @transform_0, window_bounds = array<i64: 512, 136>}, {pipeline_mode = #tpu.pipeline_mode<synchronous>, transform_indices = @transform_1, window_bounds = array<i64: 136, 128>}, {pipeline_mode = #tpu.pipeline_mode<synchronous>, transform_indices = @transform_2, window_bounds = array<i64: 136, 128>}, {pipeline_mode = #tpu.pipeline_mode<synchronous>, transform_indices = @transform_3, window_bounds = array<i64: 1, 128>}, {transform_indices = @transform_4, window_bounds = array<i64: 512, 128>}, {transform_indices = @transform_5, window_bounds = array<i64: 512, 128>}]} {
    %get3A = arith.constant 0 : index
    %get3A_0 = arith.constant 0 : index
    %get3A_1 = vector.load %arg1[%get3A, %get3A_0] : memref<512x136xf32, #tpu.memory_space<vmem>>, vector<512x136xf32>
    %get3A_2 = arith.constant 0 : index
    %get3A_3 = arith.constant 0 : index
    %get3A_4 = vector.load %arg2[%get3A_2, %get3A_3] : memref<136x128xf32, #tpu.memory_space<vmem>>, vector<136x128xf32>
    %dot_general3A = arith.constant dense<0.000000e+00> : vector<512x128xf32>
    %dot_general3A_5 = tpu.matmul %get3A_1, %get3A_4, %dot_general3A {dimension_numbers = #tpu.dot_dimension_numbers<[1], [0], [0], [1], [0, 0, 1, 1], [], []>, transpose_lhs_hint = false} : vector<512x136xf32>, vector<136x128xf32>, vector<512x128xf32> -> vector<512x128xf32>
    %get3A_6 = arith.constant 0 : index
    %get3A_7 = arith.constant 0 : index
    %get3A_8 = vector.load %arg4[%get3A_6, %get3A_7] : memref<1x128xf32, #tpu.memory_space<vmem>>, vector<1x128xf32>
    %add3A = vector.broadcast %get3A_8 : vector<1x128xf32> to vector<512x128xf32>
    %add3A_9 = arith.addf %dot_general3A_5, %add3A : vector<512x128xf32>
    %swap3A = arith.constant 0 : index
    %swap3A_10 = arith.constant 0 : index
    %swap3A_11 = vector.load %arg5[%swap3A, %swap3A_10] : memref<512x128xf32, #tpu.memory_space<vmem>>, vector<512x128xf32>
    tpu.vector_store %arg5[%swap3A, %swap3A_10], %add3A_9 {strides = array<i32>} : memref<512x128xf32, #tpu.memory_space<vmem>>, vector<512x128xf32>,
    %get3A_12 = arith.constant 0 : index
    %get3A_13 = arith.constant 0 : index
    %get3A_14 = vector.load %arg3[%get3A_12, %get3A_13] : memref<136x128xf32, #tpu.memory_space<vmem>>, vector<136x128xf32>
    %dot_general3A_15 = arith.constant dense<0.000000e+00> : vector<512x128xf32>
    %dot_general3A_16 = tpu.matmul %get3A_1, %get3A_14, %dot_general3A_15 {dimension_numbers = #tpu.dot_dimension_numbers<[1], [0], [0], [1], [0, 0, 1, 1], [], []>, transpose_lhs_hint = false} : vector<512x136xf32>, vector<136x128xf32>, vector<512x128xf32> -> vector<512x128xf32>
    %swap3A_17 = arith.constant 0 : index
    %swap3A_18 = arith.constant 0 : index
    %swap3A_19 = vector.load %arg6[%swap3A_17, %swap3A_18] : memref<512x128xf32, #tpu.memory_space<vmem>>, vector<512x128xf32>
    tpu.vector_store %arg6[%swap3A_17, %swap3A_18], %dot_general3A_16 {strides = array<i32>} : memref<512x128xf32, #tpu.memory_space<vmem>>, vector<512x128xf32>,
    return
  }
  func.func @transform_0(%arg0: i32) -> (i32, i32) {
    %c0_i32 = arith.constant 0 : i32
    %c0_i32_0 = arith.constant 0 : i32
    return %arg0, %c0_i32 : i32, i32
  }
  func.func @transform_1(%arg0: i32) -> (i32, i32) {
    %c0_i32 = arith.constant 0 : i32
    %c0_i32_0 = arith.constant 0 : i32
    %c0_i32_1 = arith.constant 0 : i32
    return %c0_i32, %c0_i32_0 : i32, i32
  }
  func.func @transform_2(%arg0: i32) -> (i32, i32) {
    %c0_i32 = arith.constant 0 : i32
    %c0_i32_0 = arith.constant 0 : i32
    %c0_i32_1 = arith.constant 0 : i32
    return %c0_i32, %c0_i32_0 : i32, i32
  }
  func.func @transform_3(%arg0: i32) -> (i32, i32) {
    %c0_i32 = arith.constant 0 : i32
    %c0_i32_0 = arith.constant 0 : i32
    %c0_i32_1 = arith.constant 0 : i32
    return %c0_i32, %c0_i32_0 : i32, i32
  }
  func.func @transform_4(%arg0: i32) -> (i32, i32) {
    %c0_i32 = arith.constant 0 : i32
    %c0_i32_0 = arith.constant 0 : i32
    return %arg0, %c0_i32 : i32, i32
  }
  func.func @transform_5(%arg0: i32) -> (i32, i32) {
    %c0_i32 = arith.constant 0 : i32
    %c0_i32_0 = arith.constant 0 : i32
    return %arg0, %c0_i32 : i32, i32
  }
}

module attributes {stable_mosaic.version = 14 : i64} {
  func.func @_combine_a_body(%arg0: i32, %arg1: memref<256x128xf32, #tpu.memory_space<vmem>>, %arg2: memref<8x256x128xf32, #tpu.memory_space<vmem>>, %arg3: memref<128x128xf32, #tpu.memory_space<vmem>>, %arg4: memref<256x128xf32, #tpu.memory_space<vmem>>) attributes {dimension_semantics = [#tpu.dimension_semantics<arbitrary>], iteration_bounds = array<i64: 40>, scalar_prefetch = 0 : i64, scratch_operands = 0 : i64, tpu.core_type = #tpu.core_type<tc>, window_params = [{transform_indices = @transform_0, window_bounds = array<i64: 256, 128>}, {transform_indices = @transform_1, window_bounds = array<i64: 8, 256, 128>}, {pipeline_mode = #tpu.pipeline_mode<synchronous>, transform_indices = @transform_2, window_bounds = array<i64: 128, 128>}, {transform_indices = @transform_3, window_bounds = array<i64: 256, 128>}]} {
    %get3A = arith.constant 0 : index
    %get3A_0 = arith.constant 0 : index
    %get3A_1 = vector.load %arg1[%get3A, %get3A_0] : memref<256x128xf32, #tpu.memory_space<vmem>>, vector<256x128xf32>
    %get3A_2 = arith.constant 0 : index
    %get3A_3 = arith.constant 0 : index
    %get3A_4 = arith.constant 0 : index
    %get3A_5 = vector.load %arg2[%get3A_2, %get3A_3, %get3A_4] : memref<8x256x128xf32, #tpu.memory_space<vmem>>, vector<8x256x128xf32>
    %broadcast_in_dim3A = vector.shape_cast %get3A_1 : vector<256x128xf32> to vector<1x256x128xf32>
    %add3A = vector.broadcast %broadcast_in_dim3A : vector<1x256x128xf32> to vector<8x256x128xf32>
    %add3A_6 = arith.addf %get3A_5, %add3A : vector<8x256x128xf32>
    %max3A = arith.constant 0.000000e+00 : f32
    %max3A_7 = vector.broadcast %max3A : f32 to vector<8x256x128xf32>
    %max3A_8 = arith.maximumf %add3A_6, %max3A_7 : vector<8x256x128xf32>
    %reshape3A = vector.shape_cast %max3A_8 : vector<8x256x128xf32> to vector<2048x128xf32>
    %get3A_9 = arith.constant 0 : index
    %get3A_10 = arith.constant 0 : index
    %get3A_11 = vector.load %arg3[%get3A_9, %get3A_10] : memref<128x128xf32, #tpu.memory_space<vmem>>, vector<128x128xf32>
    %dot_general3A = arith.constant dense<0.000000e+00> : vector<2048x128xf32>
    %dot_general3A_12 = tpu.matmul %reshape3A, %get3A_11, %dot_general3A {dimension_numbers = #tpu.dot_dimension_numbers<[1], [0], [0], [1], [0, 0, 1, 1], [], []>, transpose_lhs_hint = false} : vector<2048x128xf32>, vector<128x128xf32>, vector<2048x128xf32> -> vector<2048x128xf32>
    %reshape3A_13 = vector.shape_cast %dot_general3A_12 : vector<2048x128xf32> to vector<8x256x128xf32>
    %reduce_max3A = arith.constant dense<0xFF800000> : vector<256x128xf32>
    %reduce_max3A_14 = vector.multi_reduction <maximumf>, %reshape3A_13, %reduce_max3A [0] : vector<8x256x128xf32> to vector<256x128xf32>
    %swap3A = arith.constant 0 : index
    %swap3A_15 = arith.constant 0 : index
    %swap3A_16 = vector.load %arg4[%swap3A, %swap3A_15] : memref<256x128xf32, #tpu.memory_space<vmem>>, vector<256x128xf32>
    tpu.vector_store %arg4[%swap3A, %swap3A_15], %reduce_max3A_14 {strides = array<i32>} : memref<256x128xf32, #tpu.memory_space<vmem>>, vector<256x128xf32>,
    return
  }
  func.func @transform_0(%arg0: i32) -> (i32, i32) {
    %c0_i32 = arith.constant 0 : i32
    %c0_i32_0 = arith.constant 0 : i32
    return %arg0, %c0_i32 : i32, i32
  }
  func.func @transform_1(%arg0: i32) -> (i32, i32, i32) {
    %c0_i32 = arith.constant 0 : i32
    %c0_i32_0 = arith.constant 0 : i32
    %c0_i32_1 = arith.constant 0 : i32
    return %c0_i32, %arg0, %c0_i32_0 : i32, i32, i32
  }
  func.func @transform_2(%arg0: i32) -> (i32, i32) {
    %c0_i32 = arith.constant 0 : i32
    %c0_i32_0 = arith.constant 0 : i32
    %c0_i32_1 = arith.constant 0 : i32
    return %c0_i32, %c0_i32_0 : i32, i32
  }
  func.func @transform_3(%arg0: i32) -> (i32, i32) {
    %c0_i32 = arith.constant 0 : i32
    %c0_i32_0 = arith.constant 0 : i32
    return %arg0, %c0_i32 : i32, i32
  }
}

module attributes {stable_mosaic.version = 14 : i64} {
  func.func @_combine_b_body(%arg0: i32, %arg1: memref<256x128xf32, #tpu.memory_space<vmem>>, %arg2: memref<8x256x128xf32, #tpu.memory_space<vmem>>, %arg3: memref<128x128xf32, #tpu.memory_space<vmem>>, %arg4: memref<1x128xf32, #tpu.memory_space<vmem>>, %arg5: memref<256x128xf32, #tpu.memory_space<vmem>>, %arg6: memref<256x128xf32, #tpu.memory_space<vmem>>) attributes {dimension_semantics = [#tpu.dimension_semantics<arbitrary>], iteration_bounds = array<i64: 40>, scalar_prefetch = 0 : i64, scratch_operands = 0 : i64, tpu.core_type = #tpu.core_type<tc>, window_params = [{transform_indices = @transform_0, window_bounds = array<i64: 256, 128>}, {transform_indices = @transform_1, window_bounds = array<i64: 8, 256, 128>}, {pipeline_mode = #tpu.pipeline_mode<synchronous>, transform_indices = @transform_2, window_bounds = array<i64: 128, 128>}, {pipeline_mode = #tpu.pipeline_mode<synchronous>, transform_indices = @transform_3, window_bounds = array<i64: 1, 128>}, {transform_indices = @transform_4, window_bounds = array<i64: 256, 128>}, {transform_indices = @transform_5, window_bounds = array<i64: 256, 128>}]} {
    %get3A = arith.constant 0 : index
    %get3A_0 = arith.constant 0 : index
    %get3A_1 = vector.load %arg1[%get3A, %get3A_0] : memref<256x128xf32, #tpu.memory_space<vmem>>, vector<256x128xf32>
    %get3A_2 = arith.constant 0 : index
    %get3A_3 = arith.constant 0 : index
    %get3A_4 = arith.constant 0 : index
    %get3A_5 = vector.load %arg2[%get3A_2, %get3A_3, %get3A_4] : memref<8x256x128xf32, #tpu.memory_space<vmem>>, vector<8x256x128xf32>
    %broadcast_in_dim3A = vector.shape_cast %get3A_1 : vector<256x128xf32> to vector<1x256x128xf32>
    %add3A = vector.broadcast %broadcast_in_dim3A : vector<1x256x128xf32> to vector<8x256x128xf32>
    %add3A_6 = arith.addf %get3A_5, %add3A : vector<8x256x128xf32>
    %max3A = arith.constant 0.000000e+00 : f32
    %max3A_7 = vector.broadcast %max3A : f32 to vector<8x256x128xf32>
    %max3A_8 = arith.maximumf %add3A_6, %max3A_7 : vector<8x256x128xf32>
    %reshape3A = vector.shape_cast %max3A_8 : vector<8x256x128xf32> to vector<2048x128xf32>
    %get3A_9 = arith.constant 0 : index
    %get3A_10 = arith.constant 0 : index
    %get3A_11 = vector.load %arg3[%get3A_9, %get3A_10] : memref<128x128xf32, #tpu.memory_space<vmem>>, vector<128x128xf32>
    %dot_general3A = arith.constant dense<0.000000e+00> : vector<2048x128xf32>
    %dot_general3A_12 = tpu.matmul %reshape3A, %get3A_11, %dot_general3A {dimension_numbers = #tpu.dot_dimension_numbers<[1], [0], [0], [1], [0, 0, 1, 1], [], []>, transpose_lhs_hint = false} : vector<2048x128xf32>, vector<128x128xf32>, vector<2048x128xf32> -> vector<2048x128xf32>
    %reshape3A_13 = vector.shape_cast %dot_general3A_12 : vector<2048x128xf32> to vector<8x256x128xf32>
    %reduce_max3A = arith.constant dense<0xFF800000> : vector<256x128xf32>
    %reduce_max3A_14 = vector.multi_reduction <maximumf>, %reshape3A_13, %reduce_max3A [0] : vector<8x256x128xf32> to vector<256x128xf32>
    %get3A_15 = arith.constant 0 : index
    %get3A_16 = arith.constant 0 : index
    %get3A_17 = vector.load %arg5[%get3A_15, %get3A_16] : memref<256x128xf32, #tpu.memory_space<vmem>>, vector<256x128xf32>
    %max3A_18 = arith.maximumf %reduce_max3A_14, %get3A_17 : vector<256x128xf32>
    %get3A_19 = arith.constant 0 : index
    %get3A_20 = arith.constant 0 : index
    %get3A_21 = vector.load %arg4[%get3A_19, %get3A_20] : memref<1x128xf32, #tpu.memory_space<vmem>>, vector<1x128xf32>
    %add3A_22 = vector.broadcast %get3A_21 : vector<1x128xf32> to vector<256x128xf32>
    %add3A_23 = arith.addf %max3A_18, %add3A_22 : vector<256x128xf32>
    %swap3A = arith.constant 0 : index
    %swap3A_24 = arith.constant 0 : index
    %swap3A_25 = vector.load %arg6[%swap3A, %swap3A_24] : memref<256x128xf32, #tpu.memory_space<vmem>>, vector<256x128xf32>
    tpu.vector_store %arg6[%swap3A, %swap3A_24], %add3A_23 {strides = array<i32>} : memref<256x128xf32, #tpu.memory_space<vmem>>, vector<256x128xf32>,
    return
  }
  func.func @transform_0(%arg0: i32) -> (i32, i32) {
    %c0_i32 = arith.constant 0 : i32
    %c0_i32_0 = arith.constant 0 : i32
    return %arg0, %c0_i32 : i32, i32
  }
  func.func @transform_1(%arg0: i32) -> (i32, i32, i32) {
    %c0_i32 = arith.constant 0 : i32
    %c0_i32_0 = arith.constant 0 : i32
    %c0_i32_1 = arith.constant 0 : i32
    return %c0_i32, %arg0, %c0_i32_0 : i32, i32, i32
  }
  func.func @transform_2(%arg0: i32) -> (i32, i32) {
    %c0_i32 = arith.constant 0 : i32
    %c0_i32_0 = arith.constant 0 : i32
    %c0_i32_1 = arith.constant 0 : i32
    return %c0_i32, %c0_i32_0 : i32, i32
  }
  func.func @transform_3(%arg0: i32) -> (i32, i32) {
    %c0_i32 = arith.constant 0 : i32
    %c0_i32_0 = arith.constant 0 : i32
    %c0_i32_1 = arith.constant 0 : i32
    return %c0_i32, %c0_i32_0 : i32, i32
  }
  func.func @transform_4(%arg0: i32) -> (i32, i32) {
    %c0_i32 = arith.constant 0 : i32
    %c0_i32_0 = arith.constant 0 : i32
    return %arg0, %c0_i32 : i32, i32
  }
  func.func @transform_5(%arg0: i32) -> (i32, i32) {
    %c0_i32 = arith.constant 0 : i32
    %c0_i32_0 = arith.constant 0 : i32
    return %arg0, %c0_i32 : i32, i32
  }
}

</mosaic_0001>

<sc_bundles>
// kernel: kernel.13.cloned.1.call-start
scs
__scs_entry_jumppad:
0x0: {  	(pc) =	sbr.rel $0x88, $3  }
0x1: {  	(tag) =	ssettag $0x0;
	lr =	simm.s32 $0x1  }
0x2: {  	[smem:$0x3F97] =	sst lr;
	_ =	strace $0xD0000000  }
0x3: {  	_ = 	snop  }
0x4: {  	_ = 	snop  }
0x5: {  	_ = 	snop  }
0x6: {  	_ = 	snop  }
0x7: {  	_ = 	snop  }
__scs_overlays_trampoline_lowered:
0x8: {  	[smem:$0x3FA6] =	sst s0  }
0x9: {  	[smem:$0x3FA7] =	sst s1  }
0xa: {  	[smem:$0x3FA8] =	sst s2  }
0xb: {  	[smem:$0x3FA9] =	sst s3  }
0xc: {  	[smem:$0x3FAA] =	sst s4  }
0xd: {  	[smem:$0x3FAB] =	sst s5  }
0xe: {  	[smem:$0x3FAC] =	sst s6  }
0xf: {  	[smem:$0x3FAD] =	sst s7  }
0x10: {  	[smem:$0x3FAE] =	sst s8  }
0x11: {  	[smem:$0x3FAF] =	sst s9;
	s0 =	simm.s32 @!p0 $0x0  }
0x12: {  	s1 =	sld [smem:$0x3F95];
	s0 =	simm.s32 @p0 $0x1  }
0x13: {  	[smem:$0x3FB0] =	sst s0;
	s0 =	simm.s32 @!p1 $0x0  }
0x14: {  	s2 =	sld [smem:$0x3F94];
	s0 =	simm.s32 @p1 $0x1  }
0x15: {  	[smem:$0x3FB1] =	sst s0;
	s0 =	simm.s32 @!p2 $0x0  }
0x16: {  	s3 =	sld [smem:$0x3FDB];
	s0 =	simm.s32 @p2 $0x1  }
0x17: {  	s4 =	simm.s32 $0x1BF5;
	[smem:$0x3FB3] =	sst s0  }
0x18: {  	s0 =	sld [smem:$0x3F96];
	_ =	swait.ge [sflag:s4], $0x0  }
0x19: {  	s7 =	sld [smem:$0x3F97]  }
0x1a: {  	s8 =	sadd.s32 $0xFFFFE003, lr  }
0x1b: {  	s9 =	sadd.s32 $0xFFFFFEF7, lr;
	s5 =	simm.s32 $0xFFFFFFFF;
	p2 =	slt.u32 s8, $0xFFFFF086  }
0x1c: {  	p1 =	slt.u32 s9, $0xF7A;
	s5 =	simm.s32 @!p2 $0x0  }
0x1d: {  	s5 =	simm.s32 @p1 $0x1;
	p0 =	seq.s32 s7, s2  }
0x1e: {  	s7 =	smul.u32 @!p0 $0xF7A, s2;
	p2 =	seq.s32 @!p0 s5, $0x0  }
0x1f: {  	s9 =	smul.u32 $0xF7A, s1;
	s8 =	simm.s32 @!p0 $0x1BF5;
	p2 =	por !p2, p0  }
0x20: {  	[sflag:s8] =	ssyncset.s32 @!p0 $0xFFFFF086;
	s6 =	sadd.s32 @!p0 s3, s7;
	s7 =	simm.s32 @!p0 $0x108  }
0x21: {  	s3 =	sadd.s32 s3, s9;
	s6 =	sadd.s32 @!p0 $0x88, s6;
	s7 =	simm.s32 @p2 $0x1082  }
0x22: {  	[simem:s7], [sflag:s8] =	dma.local @!p0 [hbm:s6], $0xF7A  }
0x23: {  	s9 =	sor.u32 $0xD0000000, s2;
	s6 =	simm.s32 $0x108;
	_ =	swait.ge @!p0 [sflag:s8], $0x0  }
0x24: {  	s3 =	sadd.s32 $0x88, s3;
	s6 =	simm.s32 @!p1 $0x1082;
	[sflag:s4] =	ssyncset.s32 $0xFFFFF086  }
0x25: {  	[simem:s6], [sflag:s4] =	dma.local [hbm:s3], $0xF7A  }
0x26: {  	[smem:$0x3F97] =	sst s1;
	(tag) =	ssettag s2;
	_ =	strace s9  }
0x27: {  	s1 =	sld [smem:$0x3FA7]  }
0x28: {  	s2 =	sld [smem:$0x3FA8]  }
0x29: {  	s4 =	sld [smem:$0x3FAA]  }
0x2a: {  	p0 =	seq.s32 s5, $0x0;
	s5 =	sld [smem:$0x3FAB]  }
0x2b: {  	s6 =	sld [smem:$0x3FAC]  }
0x2c: {  	s7 =	sld [smem:$0x3FAD]  }
0x2d: {  	s3 =	simm.s32 $0x108;
	s8 =	sld [smem:$0x3FAE]  }
0x2e: {  	s3 =	simm.s32 @!p0 $0x1082;
	s9 =	sld [smem:$0x3FAF]  }
0x2f: {  	lr =	sadd.s32 s0, s3;
	s0 =	sld [smem:$0x3FA6]  }
0x30: {  	s3 =	sld [smem:$0x3FA9]  }
0x31: {  	[smem:$0x3FB2] =	sst s10  }
0x32: {  	s10 =	sld [smem:$0x3FB0];
	_ =	sdelay $0x3  }
0x33: {  	p0 =	seq.s32 s10, $0x1;
	s10 =	sld [smem:$0x3FB2];
	_ =	sdelay $0x3  }
0x34: {  	[smem:$0x3FB2] =	sst s10  }
0x35: {  	s10 =	sld [smem:$0x3FB1];
	_ =	sdelay $0x3  }
0x36: {  	p1 =	seq.s32 s10, $0x1;
	s10 =	sld [smem:$0x3FB2];
	_ =	sdelay $0x3  }
0x37: {  	[smem:$0x3FB2] =	sst s10  }
0x38: {  	s10 =	sld [smem:$0x3FB3]  }
0x39: {  	_ = 	snop;
	(pc) =	sbr.ind lr, $3  }
0x3a: {  	_ = 	snop  }
0x3b: {  	_ = 	snop  }
0x3c: {  	p2 =	seq.s32 s10, $0x1;
	s10 =	sld [smem:$0x3FB2]  }
0x3d: {  	_ =	shalt  }
0x3e: {  	_ =	shalt  }
0x3f: {  	_ =	shalt  }
0x40: {  	_ =	shalt  }
0x41: {  	_ =	shalt  }
0x42: {  	_ =	shalt  }
0x43: {  	_ =	shalt  }
0x44: {  	_ =	shalt  }
0x45: {  	_ =	shalt  }
0x46: {  	_ =	shalt  }
0x47: {  	_ =	shalt  }
0x48: {  	_ =	shalt  }
0x49: {  	_ =	shalt  }
0x4a: {  	_ =	shalt  }
0x4b: {  	_ =	shalt  }
0x4c: {  	_ =	shalt  }
0x4d: {  	_ =	shalt  }
0x4e: {  	_ =	shalt  }
0x4f: {  	_ =	shalt  }
0x50: {  	_ =	shalt  }
0x51: {  	_ =	shalt  }
0x52: {  	_ =	shalt  }
0x53: {  	_ =	shalt  }
0x54: {  	_ =	shalt  }
0x55: {  	_ =	shalt  }
0x56: {  	_ =	shalt  }
0x57: {  	_ =	shalt  }
0x58: {  	_ =	shalt  }
0x59: {  	_ =	shalt  }
0x5a: {  	_ =	shalt  }
0x5b: {  	_ =	shalt  }
0x5c: {  	_ =	shalt  }
0x5d: {  	_ =	shalt  }
0x5e: {  	_ =	shalt  }
0x5f: {  	_ =	shalt  }
0x60: {  	_ =	shalt  }
0x61: {  	_ =	shalt  }
0x62: {  	_ =	shalt  }
0x63: {  	_ =	shalt  }
0x64: {  	_ =	shalt  }
0x65: {  	_ =	shalt  }
0x66: {  	_ =	shalt  }
0x67: {  	_ =	shalt  }
0x68: {  	_ =	shalt  }
0x69: {  	_ =	shalt  }
0x6a: {  	_ =	shalt  }
0x6b: {  	_ =	shalt  }
0x6c: {  	_ =	shalt  }
0x6d: {  	_ =	shalt  }
0x6e: {  	_ =	shalt  }
0x6f: {  	_ =	shalt  }
0x70: {  	_ =	shalt  }
0x71: {  	_ =	shalt  }
0x72: {  	_ =	shalt  }
0x73: {  	_ =	shalt  }
0x74: {  	_ =	shalt  }
0x75: {  	_ =	shalt  }
0x76: {  	_ =	shalt  }
0x77: {  	_ =	shalt  }
0x78: {  	_ =	shalt  }
0x79: {  	_ =	shalt  }
0x7a: {  	_ =	shalt  }
0x7b: {  	_ =	shalt  }
0x7c: {  	_ =	shalt  }
0x7d: {  	_ =	shalt  }
0x7e: {  	_ =	shalt  }
0x7f: {  	_ =	shalt  }
0x80: {  	_ =	shalt  }
0x81: {  	_ =	shalt  }
0x82: {  	_ =	shalt  }
0x83: {  	_ =	shalt  }
0x84: {  	_ =	shalt  }
0x85: {  	_ =	shalt  }
0x86: {  	_ =	shalt  }
0x87: {  	_ =	shalt  }
.Lfunc_end0:
.L_simem_size_0:
called_computation_lowered:
.L_overlay_start_0:
0x88: {  	s2 =	sld [smem:$0x3FD9]  }
0x89: {  	s3 =	sld [smem:$0x3FFE];
	_ =	sdelay $0x1  }
0x8a: {  	s1 =	srdreg.scid  }
0x8b: {  	s0 =	sand.u32 $0x1, s1  }
0x8c: {  	s16 =	sshll.u32 s0, $0xA;
	s2 =	sadd.s32 s3, s2  }
0x8d: {  	s2 =	sadd.s32 s2, s16  }
0x8e: {  	[smem:$0x3FBE] =	sst s2  }
0x8f: {  	_ = 	snop  }
0x90: {  	(tm) =	ssettm $0x1  }
0x91: {  	s17 =	sld [smem:$0x3FFB];
	_ =	sdelay $0x3  }
0x92: {  	_ =	strace s17  }
0x93: {  	s2 =	sld [smem:$0x3FFC];
	_ =	sdelay $0x3  }
0x94: {  	_ =	strace s2  }
0x95: {  	s2 =	sld [smem:$0x3FFD];
	_ =	sdelay $0x3  }
0x96: {  	_ =	strace s2  }
0x97: {  	_ =	strace $0x8FFFFFFF  }
0x98: {  	s18 =	sld [smem:$0x3FDB];
	_ =	sdelay $0x1  }
0x99: {  	s19 =	simm.s32 $_scs_section_size  }
0x9a: {  	s4 =	simm.s32 $_size__tile_overlayer_lowered;
	s5 =	simm.s32 $_tile_overlayer_lowered  }
0x9b: {  	s22 =	simm.s32 $0x1BFF;
	s21 =	sshll.u32 s5, $0x1;
	s2 =	sadd.s32 s19, s18  }
0x9c: {  	s6 =	simm.s32 $0x0;
	s20 =	sshll.u32 s4, $0x1;
	s4 =	sadd.s32 s21, s2  }
0x9d: {  	[timem:s6], [sflag:s22] =	dma.local [hbm:s4], s20  }
0x9e: {  	_ =	swait.ge [sflag:s22], s20  }
0x9f: {  	s3 =	ssub.s32 $0x0, s20;
	[sflag:s22] =	ssyncset.done $0x0  }
0xa0: {  	[sflag:s22] =	ssyncadd.s32 s3;
	_ =	sdelay $0x1  }
0xa1: {  	s23 =	simm.s32 $0x1B8B  }
0xa2: {  	_ =	swait.ge [sflag:s23], $0x1  }
0xa3: {  	[sflag:s23] =	ssyncset.done $0x0  }
0xa4: {  	s25 =	simm.s32 $0x1B8E;
	s24 =	sld [smem:$0x3FFE];
	[sflag:s23] =	ssyncadd.s32 $0xFFFFFFFF  }
0xa5: {  	s26 =	simm.s32 $execute0_lowered;
	[smem:$0x3FD2] =	sst s25  }
0xa6: {  	s4 =	sshll.u32 s26, $0x1;
	_ =	strace $0x80000046;
	[dreg:$0x1] =	wrdreg $0xFFFFFFFF  }
0xa7: {  	s28 =	simm.s32 $_size_execute0_lowered;
	s2 =	sadd.s32 s2, s4;
	[dreg:$0x0] =	wrdreg $0x0  }
0xa8: {  	s4 =	sshll.u32 s28, $0x1;
	[dreg:$0x2] =	wrdreg s2  }
0xa9: {  	[dreg:$0x3] =	wrdreg s4  }
0xaa: {  	[dreg:$0x4] =	wrdreg $0xC0  }
0xab: {  	_ =	task [dreg:s6], $0x5FFFF  }
0xac: {  	[dreg:$0x1] =	wrdreg $0xFFFFFFFF  }
0xad: {  	[dreg:$0x0] =	wrdreg $0x60  }
0xae: {  	[dreg:$0x2] =	wrdreg s24  }
0xaf: {  	[dreg:$0x3] =	wrdreg $0x9  }
0xb0: {  	_ =	task.clear_ibuf [dreg:s6], $0x4FFFF;
	_ =	strace $0x90000046  }
0xb1: {  	s29 =	simm.s32 $0x9;
	_ =	strace $0x80000048  }
0xb2: {  	_ =	swait.ge [sflag:s29], $0x1  }
0xb3: {  	[sflag:s29] =	ssyncadd.s32 $0xFFFFFFFF  }
0xb4: {  	_ =	strace $0x90000048  }
0xb5: {  	_ =	sfence  }
0xb6: {  	s30 =	sld [smem:$0x0];
	_ =	sdelay $0x2  }
0xb7: {  	s31 =	sshll.u32 s1, $0xD;
	s1 =	sshrl.u32 s1, $0x2  }
0xb8: {  	s3 =	sand.u32 $0x4000, s31;
	s1 =	sadd.s32 s1, s30  }
0xb9: {  	s0 =	sor.u32 s3, s0;
	s1 =	sshll.u32 s1, $0x11  }
0xba: {  	s0 =	sor.u32 s1, s0  }
0xbb: {  	s0 =	sadd.s32 $0x8F2B, s0  }
0xbc: {  	[sflag:s0] =	ssyncadd.remote.s32 $0x1  }
0xbd: {  	_ =	sfence.sel $0xFFFF  }
0xbe: {  	[dreg:$0x0] =	wrdreg $0xFFFFFFFF;
	(pc) =	sbr.abs _section_cstart, $3  }
0xbf: {  	[dreg:$0x1] =	wrdreg $0xFFFFFFFF  }
0xc0: {  	_ =	task.clear_ibuf [dreg:s6], $0x2FFFF;
	_ =	strace $0x9FFFFFFF  }
0xc1: {  	(tm) =	ssettm $0x7FFFFFFF  }
tec
execute0_lowered:
.L_overlay_start_1:
0x0: {  	(tag) =	ssettag $0x1  }
0x1: {  	s1 =	srdreg.scid;
	s0 =	stileid.u32  }
0x2: {  	s14 =	sand.u32 $0x1, s1;
	s28 =	sshll.u32 s0, $0x1  }
0x3: {  	s8 =	sor.u32 s14, s28  }
0x4: {  	s9 =	rddreg [dreg:$0x0];
	s13 =	smul.u32 $0xA00, s8  }
0x5: {  	s2 =	simm.s32 $0x0;
	s1 =	rddreg [dreg:$0x1]  }
0x6: {  	[smem:$0x7FF] =	sst s2;
	s15 =	sadd.s32 $0x3A00, s9;
	s3 =	sshrl.u32 s13, $0x3  }
0x7: {  	_ =	strace $0x80000047;
	s4 =	sadd.s32 s15, s3;
	s3 =	simm.s32 $0x2  }
0x8: {  	[tilespmem:s2], [sflag:$0x2] =	stream.linear.gather [hbm4b:s4+s2], $0x280, $0x38;
	[tilespmem:$0x14280] =	vst v63  }
0x9: {  	_ =	swait.ge [sflag:s3], $0x280  }
0xa: {  	s6 =	simm.s32 $0x280;
	[sflag:s3] =	ssyncset.done $0x0  }
0xb: {  	s7 =	simm.s32 $0x1;
	s5 =	sadd.s32 $0x6200, s9;
	[sflag:s3] =	ssyncadd.s32 $0xFFFFFD80  }
0xc: {  	[tilespmem:s6], [sflag:$0x1] =	stream.indirect.gather [hbm4b:s5+s6], $0x80, s2, s6, $0xb8;
	[tilespmem:$0x14280] =	vst v63  }
0xd: {  	s8 =	smul.u32 $0xA000, s8;
	_ =	swait.ge [sflag:s7], $0x14000  }
0xe: {  	s16 =	sadd.s32 $0x2E200, s9;
	[sflag:s7] =	ssyncset.done $0x0  }
0xf: {  	s8 =	sadd.s32 s16, s8;
	[sflag:s7] =	ssyncadd.s32 $0xFFFEC000  }
0x10: {  	[hbm4b:s8+s2] =	stream.linear.scatter [tilespmem:s6], [sflag:$0x2], $0x14000, $0x38;
	[tilespmem:$0x14280] =	vst v63  }
0x11: {  	s10 =	sadd.s32 $0x280, s13;
	_ =	swait.ge [sflag:s3], $0x14000  }
0x12: {  	s29 =	sshrl.u32 s10, $0x3;
	[sflag:s3] =	ssyncset.done $0x0  }
0x13: {  	s9 =	sadd.s32 s15, s29;
	[sflag:s3] =	ssyncadd.s32 $0xFFFEC000  }
0x14: {  	[tilespmem:s2], [sflag:$0x2] =	stream.linear.gather [hbm4b:s9+s2], $0x280, $0x38;
	[tilespmem:$0x14280] =	vst v63  }
0x15: {  	_ =	swait.ge [sflag:s3], $0x280  }
0x16: {  	[sflag:s3] =	ssyncset.done $0x0  }
0x17: {  	[sflag:s3] =	ssyncadd.s32 $0xFFFFFD80  }
0x18: {  	[tilespmem:s6], [sflag:$0x1] =	stream.indirect.gather [hbm4b:s5+s6], $0x80, s2, s6, $0xb8;
	[tilespmem:$0x14280] =	vst v63  }
0x19: {  	_ =	swait.ge [sflag:s7], $0x14000  }
0x1a: {  	s10 =	sshll.u32 s10, $0x4;
	[sflag:s7] =	ssyncset.done $0x0  }
0x1b: {  	s10 =	sadd.s32 s16, s10;
	[sflag:s7] =	ssyncadd.s32 $0xFFFEC000  }
0x1c: {  	[hbm4b:s10+s2] =	stream.linear.scatter [tilespmem:s6], [sflag:$0x2], $0x14000, $0x38;
	[tilespmem:$0x14280] =	vst v63  }
0x1d: {  	s12 =	sadd.s32 $0x500, s13;
	_ =	swait.ge [sflag:s3], $0x14000  }
0x1e: {  	s11 =	sshrl.u32 s12, $0x3;
	[sflag:s3] =	ssyncset.done $0x0  }
0x1f: {  	s11 =	sadd.s32 s15, s11;
	[sflag:s3] =	ssyncadd.s32 $0xFFFEC000  }
0x20: {  	[tilespmem:s2], [sflag:$0x2] =	stream.linear.gather [hbm4b:s11+s2], $0x280, $0x38;
	[tilespmem:$0x14280] =	vst v63  }
0x21: {  	_ =	swait.ge [sflag:s3], $0x280  }
0x22: {  	[sflag:s3] =	ssyncset.done $0x0  }
0x23: {  	[sflag:s3] =	ssyncadd.s32 $0xFFFFFD80  }
0x24: {  	[tilespmem:s6], [sflag:$0x1] =	stream.indirect.gather [hbm4b:s5+s6], $0x80, s2, s6, $0xb8;
	[tilespmem:$0x14280] =	vst v63  }
0x25: {  	_ =	swait.ge [sflag:s7], $0x14000  }
0x26: {  	s12 =	sshll.u32 s12, $0x4;
	[sflag:s7] =	ssyncset.done $0x0  }
0x27: {  	s12 =	sadd.s32 s16, s12;
	[sflag:s7] =	ssyncadd.s32 $0xFFFEC000  }
0x28: {  	[hbm4b:s12+s2] =	stream.linear.scatter [tilespmem:s6], [sflag:$0x2], $0x14000, $0x38;
	[tilespmem:$0x14280] =	vst v63  }
0x29: {  	s17 =	sadd.s32 $0x780, s13;
	_ =	swait.ge [sflag:s3], $0x14000  }
0x2a: {  	s13 =	sshrl.u32 s17, $0x3;
	[sflag:s3] =	ssyncset.done $0x0  }
0x2b: {  	s14 =	ssub.s32 $0x2, s14;
	s13 =	sadd.s32 s15, s13;
	[sflag:s3] =	ssyncadd.s32 $0xFFFEC000  }
0x2c: {  	[tilespmem:s2], [sflag:$0x2] =	stream.linear.gather [hbm4b:s13+s2], $0x280, $0x38;
	[tilespmem:$0x14280] =	vst v63  }
0x2d: {  	s30 =	sshrl.u32 s14, $0x1;
	_ =	swait.ge [sflag:s3], $0x280  }
0x2e: {  	s15 =	ssub.s32 s14, s30;
	[sflag:s3] =	ssyncset.done $0x0  }
0x2f: {  	s15 =	smax.u32 s15, $0x1;
	[sflag:s3] =	ssyncadd.s32 $0xFFFFFD80  }
0x30: {  	[tilespmem:s6], [sflag:$0x1] =	stream.indirect.gather [hbm4b:s5+s6], $0x80, s2, s6, $0xb8;
	[tilespmem:$0x14280] =	vst v63  }
0x31: {  	p0 =	sne.s32 s15, $0x1;
	_ =	swait.ge [sflag:s7], $0x14000  }
.Ltmp0:
0x32: {  	s31 =	sshll.u32 s17, $0x4;
	[sflag:s7] =	ssyncset.done $0x0;
	(pc) =	sbr.rel @!p0 .LBB2_2-.Ltmp0, $4  }
0x33: {  	s14 =	sadd.s32 s16, s31;
	[sflag:s7] =	ssyncadd.s32 $0xFFFEC000  }
0x34: {  	[hbm4b:s14+s2] =	stream.linear.scatter [tilespmem:s6], [sflag:$0x2], $0x14000, $0x38;
	[tilespmem:$0x14280] =	vst v63  }
0x35: {  	_ =	swait.ge [sflag:s3], $0x14000  }
0x36: {  	s15 =	sadd.s32 $0xFFFFFFFF, s15;
	[sflag:s3] =	ssyncset.done $0x0  }
.LBB2_1:
0x37: {  	p0 =	sne.s32 s15, $0x1;
	s15 =	sadd.s32 $0xFFFFFFFF, s15;
	[sflag:s3] =	ssyncadd.s32 $0xFFFEC000  }
0x38: {  	[tilespmem:s2], [sflag:$0x2] =	stream.linear.gather [hbm4b:s4+s2], $0x280, $0x38;
	[tilespmem:$0x14280] =	vst v63  }
0x39: {  	_ =	swait.ge [sflag:s3], $0x280  }
0x3a: {  	[sflag:s3] =	ssyncset.done $0x0  }
0x3b: {  	[sflag:s3] =	ssyncadd.s32 $0xFFFFFD80  }
0x3c: {  	[tilespmem:s6], [sflag:$0x1] =	stream.indirect.gather [hbm4b:s5+s6], $0x80, s2, s6, $0xb8;
	[tilespmem:$0x14280] =	vst v63  }
0x3d: {  	_ =	swait.ge [sflag:s7], $0x14000  }
0x3e: {  	[sflag:s7] =	ssyncset.done $0x0  }
0x3f: {  	[sflag:s7] =	ssyncadd.s32 $0xFFFEC000  }
0x40: {  	[hbm4b:s8+s2] =	stream.linear.scatter [tilespmem:s6], [sflag:$0x2], $0x14000, $0x38;
	[tilespmem:$0x14280] =	vst v63  }
0x41: {  	_ =	swait.ge [sflag:s3], $0x14000  }
0x42: {  	[sflag:s3] =	ssyncset.done $0x0  }
0x43: {  	[sflag:s3] =	ssyncadd.s32 $0xFFFEC000  }
0x44: {  	[tilespmem:s2], [sflag:$0x2] =	stream.linear.gather [hbm4b:s9+s2], $0x280, $0x38;
	[tilespmem:$0x14280] =	vst v63  }
0x45: {  	_ =	swait.ge [sflag:s3], $0x280  }
0x46: {  	[sflag:s3] =	ssyncset.done $0x0  }
0x47: {  	[sflag:s3] =	ssyncadd.s32 $0xFFFFFD80  }
0x48: {  	[tilespmem:s6], [sflag:$0x1] =	stream.indirect.gather [hbm4b:s5+s6], $0x80, s2, s6, $0xb8;
	[tilespmem:$0x14280] =	vst v63  }
0x49: {  	_ =	swait.ge [sflag:s7], $0x14000  }
0x4a: {  	[sflag:s7] =	ssyncset.done $0x0  }
0x4b: {  	[sflag:s7] =	ssyncadd.s32 $0xFFFEC000  }
0x4c: {  	[hbm4b:s10+s2] =	stream.linear.scatter [tilespmem:s6], [sflag:$0x2], $0x14000, $0x38;
	[tilespmem:$0x14280] =	vst v63  }
0x4d: {  	_ =	swait.ge [sflag:s3], $0x14000  }
0x4e: {  	[sflag:s3] =	ssyncset.done $0x0  }
0x4f: {  	[sflag:s3] =	ssyncadd.s32 $0xFFFEC000  }
0x50: {  	[tilespmem:s2], [sflag:$0x2] =	stream.linear.gather [hbm4b:s11+s2], $0x280, $0x38;
	[tilespmem:$0x14280] =	vst v63  }
0x51: {  	_ =	swait.ge [sflag:s3], $0x280  }
0x52: {  	[sflag:s3] =	ssyncset.done $0x0  }
0x53: {  	[sflag:s3] =	ssyncadd.s32 $0xFFFFFD80  }
0x54: {  	[tilespmem:s6], [sflag:$0x1] =	stream.indirect.gather [hbm4b:s5+s6], $0x80, s2, s6, $0xb8;
	[tilespmem:$0x14280] =	vst v63  }
0x55: {  	_ =	swait.ge [sflag:s7], $0x14000  }
0x56: {  	[sflag:s7] =	ssyncset.done $0x0  }
0x57: {  	[sflag:s7] =	ssyncadd.s32 $0xFFFEC000  }
0x58: {  	[hbm4b:s12+s2] =	stream.linear.scatter [tilespmem:s6], [sflag:$0x2], $0x14000, $0x38;
	[tilespmem:$0x14280] =	vst v63  }
0x59: {  	_ =	swait.ge [sflag:s3], $0x14000  }
0x5a: {  	[sflag:s3] =	ssyncset.done $0x0  }
0x5b: {  	[sflag:s3] =	ssyncadd.s32 $0xFFFEC000  }
0x5c: {  	[tilespmem:s2], [sflag:$0x2] =	stream.linear.gather [hbm4b:s13+s2], $0x280, $0x38;
	[tilespmem:$0x14280] =	vst v63  }
0x5d: {  	_ =	swait.ge [sflag:s3], $0x280  }
0x5e: {  	[sflag:s3] =	ssyncset.done $0x0  }
0x5f: {  	[sflag:s3] =	ssyncadd.s32 $0xFFFFFD80  }
0x60: {  	[tilespmem:s6], [sflag:$0x1] =	stream.indirect.gather [hbm4b:s5+s6], $0x80, s2, s6, $0xb8;
	[tilespmem:$0x14280] =	vst v63  }
0x61: {  	_ =	swait.ge [sflag:s7], $0x14000  }
.Ltmp1:
0x62: {  	[sflag:s7] =	ssyncset.done $0x0;
	(pc) =	sbr.rel @p0 .LBB2_1-.Ltmp1, $4  }
0x63: {  	[sflag:s7] =	ssyncadd.s32 $0xFFFEC000  }
0x64: {  	[hbm4b:s14+s2] =	stream.linear.scatter [tilespmem:s6], [sflag:$0x2], $0x14000, $0x38;
	[tilespmem:$0x14280] =	vst v63  }
0x65: {  	_ =	swait.ge [sflag:s3], $0x14000  }
0x66: {  	[sflag:s3] =	ssyncset.done $0x0  }
.LBB2_2:
0x67: {  	[sflag:s3] =	ssyncadd.s32 $0xFFFEC000  }
0x68: {  	_ =	sfence.sel $0x180000  }
0x69: {  	[bflag:$0x0] =	sbarrier.arrive $0xFFFF  }
0x6a: {  	p0 =	sne.s32 s0, $0x0;
	_ =	strace $0x90000047  }
0x6b: {  	s0 =	sadd.s32 @!p0 $0x100000, s1;
	[bflag:$0x2] =	sbarrier.arrive $0xFFFF  }
0x6c: {  	[sflag:s0] =	ssyncadd.tile.s32 @!p0 $0x1;
	_ =	shalt  }
.Lfunc_end2:
_tile_overlayer_lowered:
.L_overlay_start_2:
0x6d: {  	(tag) =	ssettag $0x2  }
0x6e: {  	s0 =	rddreg [dreg:$0x0];
	s2 =	stileid.u32  }
0x6f: {  	s1 =	rddreg [dreg:$0x1];
	p0 =	sne.s32 s2, $0x0  }
0x70: {  	s3 =	rddreg [dreg:$0x2];
	[bflag:$0x3] =	sbarrier.arrive $0xFFFF;
	s2 =	simm.s32 @!p0 $0x1C02  }
0x71: {  	[timem:s3], [sflag:s2] =	dma.local @!p0 [hbm:s0], s1  }
0x72: {  	s0 =	simm.s32 @!p0 $0x2  }
0x73: {  	_ =	swait.ge @!p0 [sflag:s0], s1  }
0x74: {  	s1 =	ssub.s32 @!p0 $0x0, s1;
	[sflag:s0] =	ssyncset.done @!p0 $0x0  }
0x75: {  	[sflag:s0] =	ssyncadd.s32 @!p0 s1  }
0x76: {  	[bflag:$0x3] =	sbarrier.arrive $0xFFFF  }
0x77: {  	_ =	shalt  }

// kernel: kernel.16.cloned.1.call-start
scs
__scs_entry_jumppad:
0x0: {  	(pc) =	sbr.rel $0x88, $3  }
0x1: {  	(tag) =	ssettag $0x0;
	lr =	simm.s32 $0x1  }
0x2: {  	[smem:$0x3F97] =	sst lr;
	_ =	strace $0xD0000000  }
0x3: {  	_ = 	snop  }
0x4: {  	_ = 	snop  }
0x5: {  	_ = 	snop  }
0x6: {  	_ = 	snop  }
0x7: {  	_ = 	snop  }
__scs_overlays_trampoline_lowered:
0x8: {  	[smem:$0x3FA6] =	sst s0  }
0x9: {  	[smem:$0x3FA7] =	sst s1  }
0xa: {  	[smem:$0x3FA8] =	sst s2  }
0xb: {  	[smem:$0x3FA9] =	sst s3  }
0xc: {  	[smem:$0x3FAA] =	sst s4  }
0xd: {  	[smem:$0x3FAB] =	sst s5  }
0xe: {  	[smem:$0x3FAC] =	sst s6  }
0xf: {  	[smem:$0x3FAD] =	sst s7  }
0x10: {  	[smem:$0x3FAE] =	sst s8  }
0x11: {  	[smem:$0x3FAF] =	sst s9;
	s0 =	simm.s32 @!p0 $0x0  }
0x12: {  	s1 =	sld [smem:$0x3F95];
	s0 =	simm.s32 @p0 $0x1  }
0x13: {  	[smem:$0x3FB0] =	sst s0;
	s0 =	simm.s32 @!p1 $0x0  }
0x14: {  	s2 =	sld [smem:$0x3F94];
	s0 =	simm.s32 @p1 $0x1  }
0x15: {  	[smem:$0x3FB1] =	sst s0;
	s0 =	simm.s32 @!p2 $0x0  }
0x16: {  	s3 =	sld [smem:$0x3FDB];
	s0 =	simm.s32 @p2 $0x1  }
0x17: {  	s4 =	simm.s32 $0x1BF5;
	[smem:$0x3FB3] =	sst s0  }
0x18: {  	s0 =	sld [smem:$0x3F96];
	_ =	swait.ge [sflag:s4], $0x0  }
0x19: {  	s7 =	sld [smem:$0x3F97]  }
0x1a: {  	s8 =	sadd.s32 $0xFFFFE003, lr  }
0x1b: {  	s9 =	sadd.s32 $0xFFFFFEF7, lr;
	s5 =	simm.s32 $0xFFFFFFFF;
	p2 =	slt.u32 s8, $0xFFFFF086  }
0x1c: {  	p1 =	slt.u32 s9, $0xF7A;
	s5 =	simm.s32 @!p2 $0x0  }
0x1d: {  	s5 =	simm.s32 @p1 $0x1;
	p0 =	seq.s32 s7, s2  }
0x1e: {  	s7 =	smul.u32 @!p0 $0xF7A, s2;
	p2 =	seq.s32 @!p0 s5, $0x0  }
0x1f: {  	s9 =	smul.u32 $0xF7A, s1;
	s8 =	simm.s32 @!p0 $0x1BF5;
	p2 =	por !p2, p0  }
0x20: {  	[sflag:s8] =	ssyncset.s32 @!p0 $0xFFFFF086;
	s6 =	sadd.s32 @!p0 s3, s7;
	s7 =	simm.s32 @!p0 $0x108  }
0x21: {  	s3 =	sadd.s32 s3, s9;
	s6 =	sadd.s32 @!p0 $0x88, s6;
	s7 =	simm.s32 @p2 $0x1082  }
0x22: {  	[simem:s7], [sflag:s8] =	dma.local @!p0 [hbm:s6], $0xF7A  }
0x23: {  	s9 =	sor.u32 $0xD0000000, s2;
	s6 =	simm.s32 $0x108;
	_ =	swait.ge @!p0 [sflag:s8], $0x0  }
0x24: {  	s3 =	sadd.s32 $0x88, s3;
	s6 =	simm.s32 @!p1 $0x1082;
	[sflag:s4] =	ssyncset.s32 $0xFFFFF086  }
0x25: {  	[simem:s6], [sflag:s4] =	dma.local [hbm:s3], $0xF7A  }
0x26: {  	[smem:$0x3F97] =	sst s1;
	(tag) =	ssettag s2;
	_ =	strace s9  }
0x27: {  	s1 =	sld [smem:$0x3FA7]  }
0x28: {  	s2 =	sld [smem:$0x3FA8]  }
0x29: {  	s4 =	sld [smem:$0x3FAA]  }
0x2a: {  	p0 =	seq.s32 s5, $0x0;
	s5 =	sld [smem:$0x3FAB]  }
0x2b: {  	s6 =	sld [smem:$0x3FAC]  }
0x2c: {  	s7 =	sld [smem:$0x3FAD]  }
0x2d: {  	s3 =	simm.s32 $0x108;
	s8 =	sld [smem:$0x3FAE]  }
0x2e: {  	s3 =	simm.s32 @!p0 $0x1082;
	s9 =	sld [smem:$0x3FAF]  }
0x2f: {  	lr =	sadd.s32 s0, s3;
	s0 =	sld [smem:$0x3FA6]  }
0x30: {  	s3 =	sld [smem:$0x3FA9]  }
0x31: {  	[smem:$0x3FB2] =	sst s10  }
0x32: {  	s10 =	sld [smem:$0x3FB0];
	_ =	sdelay $0x3  }
0x33: {  	p0 =	seq.s32 s10, $0x1;
	s10 =	sld [smem:$0x3FB2];
	_ =	sdelay $0x3  }
0x34: {  	[smem:$0x3FB2] =	sst s10  }
0x35: {  	s10 =	sld [smem:$0x3FB1];
	_ =	sdelay $0x3  }
0x36: {  	p1 =	seq.s32 s10, $0x1;
	s10 =	sld [smem:$0x3FB2];
	_ =	sdelay $0x3  }
0x37: {  	[smem:$0x3FB2] =	sst s10  }
0x38: {  	s10 =	sld [smem:$0x3FB3]  }
0x39: {  	_ = 	snop;
	(pc) =	sbr.ind lr, $3  }
0x3a: {  	_ = 	snop  }
0x3b: {  	_ = 	snop  }
0x3c: {  	p2 =	seq.s32 s10, $0x1;
	s10 =	sld [smem:$0x3FB2]  }
0x3d: {  	_ =	shalt  }
0x3e: {  	_ =	shalt  }
0x3f: {  	_ =	shalt  }
0x40: {  	_ =	shalt  }
0x41: {  	_ =	shalt  }
0x42: {  	_ =	shalt  }
0x43: {  	_ =	shalt  }
0x44: {  	_ =	shalt  }
0x45: {  	_ =	shalt  }
0x46: {  	_ =	shalt  }
0x47: {  	_ =	shalt  }
0x48: {  	_ =	shalt  }
0x49: {  	_ =	shalt  }
0x4a: {  	_ =	shalt  }
0x4b: {  	_ =	shalt  }
0x4c: {  	_ =	shalt  }
0x4d: {  	_ =	shalt  }
0x4e: {  	_ =	shalt  }
0x4f: {  	_ =	shalt  }
0x50: {  	_ =	shalt  }
0x51: {  	_ =	shalt  }
0x52: {  	_ =	shalt  }
0x53: {  	_ =	shalt  }
0x54: {  	_ =	shalt  }
0x55: {  	_ =	shalt  }
0x56: {  	_ =	shalt  }
0x57: {  	_ =	shalt  }
0x58: {  	_ =	shalt  }
0x59: {  	_ =	shalt  }
0x5a: {  	_ =	shalt  }
0x5b: {  	_ =	shalt  }
0x5c: {  	_ =	shalt  }
0x5d: {  	_ =	shalt  }
0x5e: {  	_ =	shalt  }
0x5f: {  	_ =	shalt  }
0x60: {  	_ =	shalt  }
0x61: {  	_ =	shalt  }
0x62: {  	_ =	shalt  }
0x63: {  	_ =	shalt  }
0x64: {  	_ =	shalt  }
0x65: {  	_ =	shalt  }
0x66: {  	_ =	shalt  }
0x67: {  	_ =	shalt  }
0x68: {  	_ =	shalt  }
0x69: {  	_ =	shalt  }
0x6a: {  	_ =	shalt  }
0x6b: {  	_ =	shalt  }
0x6c: {  	_ =	shalt  }
0x6d: {  	_ =	shalt  }
0x6e: {  	_ =	shalt  }
0x6f: {  	_ =	shalt  }
0x70: {  	_ =	shalt  }
0x71: {  	_ =	shalt  }
0x72: {  	_ =	shalt  }
0x73: {  	_ =	shalt  }
0x74: {  	_ =	shalt  }
0x75: {  	_ =	shalt  }
0x76: {  	_ =	shalt  }
0x77: {  	_ =	shalt  }
0x78: {  	_ =	shalt  }
0x79: {  	_ =	shalt  }
0x7a: {  	_ =	shalt  }
0x7b: {  	_ =	shalt  }
0x7c: {  	_ =	shalt  }
0x7d: {  	_ =	shalt  }
0x7e: {  	_ =	shalt  }
0x7f: {  	_ =	shalt  }
0x80: {  	_ =	shalt  }
0x81: {  	_ =	shalt  }
0x82: {  	_ =	shalt  }
0x83: {  	_ =	shalt  }
0x84: {  	_ =	shalt  }
0x85: {  	_ =	shalt  }
0x86: {  	_ =	shalt  }
0x87: {  	_ =	shalt  }
.Lfunc_end0:
.L_simem_size_0:
called_computation.1_lowered:
.L_overlay_start_0:
0x88: {  	s2 =	sld [smem:$0x3FD9]  }
0x89: {  	s3 =	sld [smem:$0x3FFE];
	_ =	sdelay $0x1  }
0x8a: {  	s1 =	srdreg.scid  }
0x8b: {  	s0 =	sand.u32 $0x1, s1  }
0x8c: {  	s17 =	sshll.u32 s0, $0xA;
	s2 =	sadd.s32 s3, s2  }
0x8d: {  	s2 =	sadd.s32 s2, s17  }
0x8e: {  	[smem:$0x3FBE] =	sst s2  }
0x8f: {  	_ = 	snop  }
0x90: {  	s18 =	sld [smem:$0x3FD0];
	(tm) =	ssettm $0x1  }
0x91: {  	s19 =	sld [smem:$0x3FFB];
	_ =	sdelay $0x3  }
0x92: {  	_ =	strace s19  }
0x93: {  	s2 =	sld [smem:$0x3FFC];
	_ =	sdelay $0x3  }
0x94: {  	_ =	strace s2  }
0x95: {  	s2 =	sld [smem:$0x3FFD];
	_ =	sdelay $0x3  }
0x96: {  	_ =	strace s2  }
0x97: {  	_ =	strace $0x8FFFFFFF  }
0x98: {  	s20 =	sld [smem:$0x3FDB];
	_ =	sdelay $0x1  }
0x99: {  	s4 =	simm.s32 $_scs_section_size  }
0x9a: {  	s5 =	simm.s32 $_size__tile_overlayer_lowered;
	s6 =	simm.s32 $_tile_overlayer_lowered  }
0x9b: {  	s7 =	simm.s32 $0x1BFF;
	s21 =	sshll.u32 s6, $0x1;
	s4 =	sadd.s32 s4, s20  }
0x9c: {  	s22 =	simm.s32 $0x0;
	s5 =	sshll.u32 s5, $0x1;
	s6 =	sadd.s32 s21, s4  }
0x9d: {  	[timem:s22], [sflag:s7] =	dma.local [hbm:s6], s5  }
0x9e: {  	_ =	swait.ge [sflag:s7], s5  }
0x9f: {  	s5 =	ssub.s32 $0x0, s5;
	[sflag:s7] =	ssyncset.done $0x0  }
0xa0: {  	[sflag:s7] =	ssyncadd.s32 s5;
	_ =	sdelay $0x1  }
0xa1: {  	s23 =	simm.s32 $0x1B8B  }
0xa2: {  	_ =	swait.ge [sflag:s23], $0x1  }
0xa3: {  	[sflag:s23] =	ssyncset.done $0x0  }
0xa4: {  	[sflag:s23] =	ssyncadd.s32 $0xFFFFFFFF  }
0xa5: {  	s5 =	sld [smem:$0x0]  }
0xa6: {  	s6 =	sand.u32 $0xFFFFFFFE, s1  }
0xa7: {  	p0 =	sne.s32 s1, s6  }
0xa8: {  	s6 =	sshll.u32 @p0 s6, $0xE  }
0xa9: {  	s6 =	sadd.s32 @p0 $0x11B8D, s6;
	s7 =	sshll.u32 @p0 s5, $0x11  }
0xaa: {  	s6 =	sor.u32 @p0 s7, s6  }
0xab: {  	[sflag:s6] =	ssyncadd.remote.s32 @p0 $0x1;
	_ =	sdelay $0x1  }
0xac: {  	s6 =	simm.s32 @p0 $0x1B8D  }
0xad: {  	_ =	swait.eq @p0 [sflag:s6], $0x1  }
0xae: {  	[sflag:s6] =	ssyncadd.s32 @p0 $0xFFFFFFFF  }
0xaf: {  	s7 =	sshll.u32 @!p0 s1, $0xE  }
0xb0: {  	s7 =	sor.u32 @!p0 $0x4000, s7;
	s6 =	simm.s32 @!p0 $0x1B8D  }
0xb1: {  	s5 =	sshll.u32 @!p0 s5, $0x11;
	s7 =	sadd.s32 @!p0 $0x11B8D, s7;
	_ =	swait.eq @!p0 [sflag:s6], $0x1  }
0xb2: {  	s5 =	sor.u32 @!p0 s5, s7;
	[sflag:s6] =	ssyncadd.s32 @!p0 $0xFFFFFFFF  }
0xb3: {  	s25 =	simm.s32 $0x1B8E;
	s24 =	sld [smem:$0x3FFE];
	[sflag:s5] =	ssyncadd.remote.s32 @!p0 $0x1  }
0xb4: {  	s26 =	simm.s32 $execute0_lowered;
	[smem:$0x3FD2] =	sst s25  }
0xb5: {  	s6 =	sshll.u32 s26, $0x1;
	_ =	strace $0x80000049;
	[dreg:$0x1] =	wrdreg $0xFFFFFFFF  }
0xb6: {  	s28 =	simm.s32 $_size_execute0_lowered;
	s4 =	sadd.s32 s4, s6;
	[dreg:$0x0] =	wrdreg $0x0  }
0xb7: {  	s6 =	sshll.u32 s28, $0x1;
	[dreg:$0x2] =	wrdreg s4  }
0xb8: {  	[dreg:$0x3] =	wrdreg s6  }
0xb9: {  	[dreg:$0x4] =	wrdreg $0xC0  }
0xba: {  	_ =	task [dreg:s22], $0x5FFFF  }
0xbb: {  	[dreg:$0x1] =	wrdreg $0xFFFFFFFF  }
0xbc: {  	[dreg:$0x0] =	wrdreg $0x60  }
0xbd: {  	[dreg:$0x2] =	wrdreg s24  }
0xbe: {  	[dreg:$0x3] =	wrdreg s18  }
0xbf: {  	[dreg:$0x4] =	wrdreg $0xA  }
0xc0: {  	_ =	task.clear_ibuf [dreg:s22], $0x5FFFF;
	_ =	strace $0x90000049  }
0xc1: {  	s29 =	simm.s32 $0xA;
	_ =	strace $0x8000004B  }
0xc2: {  	_ =	swait.ge [sflag:s29], $0x1  }
0xc3: {  	[sflag:s29] =	ssyncadd.s32 $0xFFFFFFFF  }
0xc4: {  	_ =	strace $0x9000004B  }
0xc5: {  	_ =	sfence  }
0xc6: {  	s30 =	sld [smem:$0x0];
	_ =	sdelay $0x2  }
0xc7: {  	s31 =	sshll.u32 s1, $0xD;
	s1 =	sshrl.u32 s1, $0x2  }
0xc8: {  	s4 =	sand.u32 $0x4000, s31;
	s1 =	sadd.s32 s1, s30  }
0xc9: {  	s0 =	sor.u32 s4, s0;
	s1 =	sshll.u32 s1, $0x11  }
0xca: {  	s0 =	sor.u32 s1, s0  }
0xcb: {  	s0 =	sadd.s32 $0x8F2B, s0  }
0xcc: {  	[sflag:s0] =	ssyncadd.remote.s32 $0x1  }
0xcd: {  	_ =	sfence.sel $0xFFFF  }
0xce: {  	[dreg:$0x0] =	wrdreg $0xFFFFFFFF;
	(pc) =	sbr.abs _section_cstart, $3  }
0xcf: {  	[dreg:$0x1] =	wrdreg $0xFFFFFFFF  }
0xd0: {  	_ =	task.clear_ibuf [dreg:s22], $0x2FFFF;
	_ =	strace $0x9FFFFFFF  }
0xd1: {  	(tm) =	ssettm $0x7FFFFFFF  }
tec
execute0_lowered:
.L_overlay_start_1:
0x0: {  	(tag) =	ssettag $0x1  }
0x1: {  	s1 =	srdreg.scid;
	s0 =	stileid.u32  }
0x2: {  	s14 =	sand.u32 $0x1, s1;
	s26 =	sshll.u32 s0, $0x1  }
0x3: {  	s8 =	rddreg [dreg:$0x0];
	s9 =	sor.u32 s14, s26  }
0x4: {  	s13 =	rddreg [dreg:$0x1];
	s15 =	smul.u32 $0xA00, s9  }
0x5: {  	s2 =	simm.s32 $0x0;
	s1 =	rddreg [dreg:$0x2]  }
0x6: {  	[smem:$0x7FF] =	sst s2;
	s3 =	sshrl.u32 s15, $0x3  }
0x7: {  	_ =	strace $0x8000004A;
	s4 =	sadd.s32 s13, s3;
	s3 =	simm.s32 $0x2  }
0x8: {  	[tilespmem:s2], [sflag:$0x2] =	stream.linear.gather [hbm4b:s4+s2], $0x280, $0x38;
	[tilespmem:$0x14280] =	vst v63  }
0x9: {  	_ =	swait.ge [sflag:s3], $0x280  }
0xa: {  	s6 =	simm.s32 $0x280;
	[sflag:s3] =	ssyncset.done $0x0  }
0xb: {  	s7 =	simm.s32 $0x1;
	s5 =	sadd.s32 $0x6200, s8;
	[sflag:s3] =	ssyncadd.s32 $0xFFFFFD80  }
0xc: {  	[tilespmem:s6], [sflag:$0x1] =	stream.indirect.gather [hbm4b:s5+s6], $0x80, s2, s6, $0xb8;
	[tilespmem:$0x14280] =	vst v63  }
0xd: {  	s9 =	smul.u32 $0xA000, s9;
	_ =	swait.ge [sflag:s7], $0x14000  }
0xe: {  	s16 =	sadd.s32 $0x16E200, s8;
	[sflag:s7] =	ssyncset.done $0x0  }
0xf: {  	s8 =	sadd.s32 s16, s9;
	[sflag:s7] =	ssyncadd.s32 $0xFFFEC000  }
0x10: {  	[hbm4b:s8+s2] =	stream.linear.scatter [tilespmem:s6], [sflag:$0x2], $0x14000, $0x38;
	[tilespmem:$0x14280] =	vst v63  }
0x11: {  	s10 =	sadd.s32 $0x280, s15;
	_ =	swait.ge [sflag:s3], $0x14000  }
0x12: {  	s28 =	sshrl.u32 s10, $0x3;
	[sflag:s3] =	ssyncset.done $0x0  }
0x13: {  	s9 =	sadd.s32 s13, s28;
	[sflag:s3] =	ssyncadd.s32 $0xFFFEC000  }
0x14: {  	[tilespmem:s2], [sflag:$0x2] =	stream.linear.gather [hbm4b:s9+s2], $0x280, $0x38;
	[tilespmem:$0x14280] =	vst v63  }
0x15: {  	_ =	swait.ge [sflag:s3], $0x280  }
0x16: {  	[sflag:s3] =	ssyncset.done $0x0  }
0x17: {  	[sflag:s3] =	ssyncadd.s32 $0xFFFFFD80  }
0x18: {  	[tilespmem:s6], [sflag:$0x1] =	stream.indirect.gather [hbm4b:s5+s6], $0x80, s2, s6, $0xb8;
	[tilespmem:$0x14280] =	vst v63  }
0x19: {  	_ =	swait.ge [sflag:s7], $0x14000  }
0x1a: {  	s10 =	sshll.u32 s10, $0x4;
	[sflag:s7] =	ssyncset.done $0x0  }
0x1b: {  	s10 =	sadd.s32 s16, s10;
	[sflag:s7] =	ssyncadd.s32 $0xFFFEC000  }
0x1c: {  	[hbm4b:s10+s2] =	stream.linear.scatter [tilespmem:s6], [sflag:$0x2], $0x14000, $0x38;
	[tilespmem:$0x14280] =	vst v63  }
0x1d: {  	s12 =	sadd.s32 $0x500, s15;
	_ =	swait.ge [sflag:s3], $0x14000  }
0x1e: {  	s11 =	sshrl.u32 s12, $0x3;
	[sflag:s3] =	ssyncset.done $0x0  }
0x1f: {  	s11 =	sadd.s32 s13, s11;
	[sflag:s3] =	ssyncadd.s32 $0xFFFEC000  }
0x20: {  	[tilespmem:s2], [sflag:$0x2] =	stream.linear.gather [hbm4b:s11+s2], $0x280, $0x38;
	[tilespmem:$0x14280] =	vst v63  }
0x21: {  	_ =	swait.ge [sflag:s3], $0x280  }
0x22: {  	[sflag:s3] =	ssyncset.done $0x0  }
0x23: {  	[sflag:s3] =	ssyncadd.s32 $0xFFFFFD80  }
0x24: {  	[tilespmem:s6], [sflag:$0x1] =	stream.indirect.gather [hbm4b:s5+s6], $0x80, s2, s6, $0xb8;
	[tilespmem:$0x14280] =	vst v63  }
0x25: {  	_ =	swait.ge [sflag:s7], $0x14000  }
0x26: {  	s12 =	sshll.u32 s12, $0x4;
	[sflag:s7] =	ssyncset.done $0x0  }
0x27: {  	s12 =	sadd.s32 s16, s12;
	[sflag:s7] =	ssyncadd.s32 $0xFFFEC000  }
0x28: {  	[hbm4b:s12+s2] =	stream.linear.scatter [tilespmem:s6], [sflag:$0x2], $0x14000, $0x38;
	[tilespmem:$0x14280] =	vst v63  }
0x29: {  	s15 =	sadd.s32 $0x780, s15;
	_ =	swait.ge [sflag:s3], $0x14000  }
0x2a: {  	s17 =	sshrl.u32 s15, $0x3;
	[sflag:s3] =	ssyncset.done $0x0  }
0x2b: {  	s14 =	ssub.s32 $0x2, s14;
	s13 =	sadd.s32 s13, s17;
	[sflag:s3] =	ssyncadd.s32 $0xFFFEC000  }
0x2c: {  	[tilespmem:s2], [sflag:$0x2] =	stream.linear.gather [hbm4b:s13+s2], $0x280, $0x38;
	[tilespmem:$0x14280] =	vst v63  }
0x2d: {  	s29 =	sshrl.u32 s14, $0x1;
	_ =	swait.ge [sflag:s3], $0x280  }
0x2e: {  	s17 =	ssub.s32 s14, s29;
	[sflag:s3] =	ssyncset.done $0x0  }
0x2f: {  	s31 =	smax.u32 s17, $0x1;
	[sflag:s3] =	ssyncadd.s32 $0xFFFFFD80  }
0x30: {  	[tilespmem:s6], [sflag:$0x1] =	stream.indirect.gather [hbm4b:s5+s6], $0x80, s2, s6, $0xb8;
	[tilespmem:$0x14280] =	vst v63  }
0x31: {  	p0 =	sne.s32 s31, $0x1;
	_ =	swait.ge [sflag:s7], $0x14000  }
.Ltmp0:
0x32: {  	s30 =	sshll.u32 s15, $0x4;
	[sflag:s7] =	ssyncset.done $0x0;
	(pc) =	sbr.rel @!p0 .LBB2_2-.Ltmp0, $4  }
0x33: {  	s14 =	sadd.s32 s16, s30;
	[sflag:s7] =	ssyncadd.s32 $0xFFFEC000  }
0x34: {  	[hbm4b:s14+s2] =	stream.linear.scatter [tilespmem:s6], [sflag:$0x2], $0x14000, $0x38;
	[tilespmem:$0x14280] =	vst v63  }
0x35: {  	_ =	swait.ge [sflag:s3], $0x14000  }
0x36: {  	s15 =	sadd.s32 $0xFFFFFFFF, s31;
	[sflag:s3] =	ssyncset.done $0x0  }
.LBB2_1:
0x37: {  	p0 =	sne.s32 s15, $0x1;
	s15 =	sadd.s32 $0xFFFFFFFF, s15;
	[sflag:s3] =	ssyncadd.s32 $0xFFFEC000  }
0x38: {  	[tilespmem:s2], [sflag:$0x2] =	stream.linear.gather [hbm4b:s4+s2], $0x280, $0x38;
	[tilespmem:$0x14280] =	vst v63  }
0x39: {  	_ =	swait.ge [sflag:s3], $0x280  }
0x3a: {  	[sflag:s3] =	ssyncset.done $0x0  }
0x3b: {  	[sflag:s3] =	ssyncadd.s32 $0xFFFFFD80  }
0x3c: {  	[tilespmem:s6], [sflag:$0x1] =	stream.indirect.gather [hbm4b:s5+s6], $0x80, s2, s6, $0xb8;
	[tilespmem:$0x14280] =	vst v63  }
0x3d: {  	_ =	swait.ge [sflag:s7], $0x14000  }
0x3e: {  	[sflag:s7] =	ssyncset.done $0x0  }
0x3f: {  	[sflag:s7] =	ssyncadd.s32 $0xFFFEC000  }
0x40: {  	[hbm4b:s8+s2] =	stream.linear.scatter [tilespmem:s6], [sflag:$0x2], $0x14000, $0x38;
	[tilespmem:$0x14280] =	vst v63  }
0x41: {  	_ =	swait.ge [sflag:s3], $0x14000  }
0x42: {  	[sflag:s3] =	ssyncset.done $0x0  }
0x43: {  	[sflag:s3] =	ssyncadd.s32 $0xFFFEC000  }
0x44: {  	[tilespmem:s2], [sflag:$0x2] =	stream.linear.gather [hbm4b:s9+s2], $0x280, $0x38;
	[tilespmem:$0x14280] =	vst v63  }
0x45: {  	_ =	swait.ge [sflag:s3], $0x280  }
0x46: {  	[sflag:s3] =	ssyncset.done $0x0  }
0x47: {  	[sflag:s3] =	ssyncadd.s32 $0xFFFFFD80  }
0x48: {  	[tilespmem:s6], [sflag:$0x1] =	stream.indirect.gather [hbm4b:s5+s6], $0x80, s2, s6, $0xb8;
	[tilespmem:$0x14280] =	vst v63  }
0x49: {  	_ =	swait.ge [sflag:s7], $0x14000  }
0x4a: {  	[sflag:s7] =	ssyncset.done $0x0  }
0x4b: {  	[sflag:s7] =	ssyncadd.s32 $0xFFFEC000  }
0x4c: {  	[hbm4b:s10+s2] =	stream.linear.scatter [tilespmem:s6], [sflag:$0x2], $0x14000, $0x38;
	[tilespmem:$0x14280] =	vst v63  }
0x4d: {  	_ =	swait.ge [sflag:s3], $0x14000  }
0x4e: {  	[sflag:s3] =	ssyncset.done $0x0  }
0x4f: {  	[sflag:s3] =	ssyncadd.s32 $0xFFFEC000  }
0x50: {  	[tilespmem:s2], [sflag:$0x2] =	stream.linear.gather [hbm4b:s11+s2], $0x280, $0x38;
	[tilespmem:$0x14280] =	vst v63  }
0x51: {  	_ =	swait.ge [sflag:s3], $0x280  }
0x52: {  	[sflag:s3] =	ssyncset.done $0x0  }
0x53: {  	[sflag:s3] =	ssyncadd.s32 $0xFFFFFD80  }
0x54: {  	[tilespmem:s6], [sflag:$0x1] =	stream.indirect.gather [hbm4b:s5+s6], $0x80, s2, s6, $0xb8;
	[tilespmem:$0x14280] =	vst v63  }
0x55: {  	_ =	swait.ge [sflag:s7], $0x14000  }
0x56: {  	[sflag:s7] =	ssyncset.done $0x0  }
0x57: {  	[sflag:s7] =	ssyncadd.s32 $0xFFFEC000  }
0x58: {  	[hbm4b:s12+s2] =	stream.linear.scatter [tilespmem:s6], [sflag:$0x2], $0x14000, $0x38;
	[tilespmem:$0x14280] =	vst v63  }
0x59: {  	_ =	swait.ge [sflag:s3], $0x14000  }
0x5a: {  	[sflag:s3] =	ssyncset.done $0x0  }
0x5b: {  	[sflag:s3] =	ssyncadd.s32 $0xFFFEC000  }
0x5c: {  	[tilespmem:s2], [sflag:$0x2] =	stream.linear.gather [hbm4b:s13+s2], $0x280, $0x38;
	[tilespmem:$0x14280] =	vst v63  }
0x5d: {  	_ =	swait.ge [sflag:s3], $0x280  }
0x5e: {  	[sflag:s3] =	ssyncset.done $0x0  }
0x5f: {  	[sflag:s3] =	ssyncadd.s32 $0xFFFFFD80  }
0x60: {  	[tilespmem:s6], [sflag:$0x1] =	stream.indirect.gather [hbm4b:s5+s6], $0x80, s2, s6, $0xb8;
	[tilespmem:$0x14280] =	vst v63  }
0x61: {  	_ =	swait.ge [sflag:s7], $0x14000  }
.Ltmp1:
0x62: {  	[sflag:s7] =	ssyncset.done $0x0;
	(pc) =	sbr.rel @p0 .LBB2_1-.Ltmp1, $4  }
0x63: {  	[sflag:s7] =	ssyncadd.s32 $0xFFFEC000  }
0x64: {  	[hbm4b:s14+s2] =	stream.linear.scatter [tilespmem:s6], [sflag:$0x2], $0x14000, $0x38;
	[tilespmem:$0x14280] =	vst v63  }
0x65: {  	_ =	swait.ge [sflag:s3], $0x14000  }
0x66: {  	[sflag:s3] =	ssyncset.done $0x0  }
.LBB2_2:
0x67: {  	[sflag:s3] =	ssyncadd.s32 $0xFFFEC000  }
0x68: {  	_ =	sfence.sel $0x180000  }
0x69: {  	[bflag:$0x0] =	sbarrier.arrive $0xFFFF  }
0x6a: {  	p0 =	sne.s32 s0, $0x0;
	_ =	strace $0x9000004A  }
0x6b: {  	s0 =	sadd.s32 @!p0 $0x100000, s1;
	[bflag:$0x2] =	sbarrier.arrive $0xFFFF  }
0x6c: {  	[sflag:s0] =	ssyncadd.tile.s32 @!p0 $0x1;
	_ =	shalt  }
.Lfunc_end2:
_tile_overlayer_lowered:
.L_overlay_start_2:
0x6d: {  	(tag) =	ssettag $0x2  }
0x6e: {  	s0 =	rddreg [dreg:$0x0];
	s2 =	stileid.u32  }
0x6f: {  	s1 =	rddreg [dreg:$0x1];
	p0 =	sne.s32 s2, $0x0  }
0x70: {  	s3 =	rddreg [dreg:$0x2];
	[bflag:$0x3] =	sbarrier.arrive $0xFFFF;
	s2 =	simm.s32 @!p0 $0x1C02  }
0x71: {  	[timem:s3], [sflag:s2] =	dma.local @!p0 [hbm:s0], s1  }
0x72: {  	s0 =	simm.s32 @!p0 $0x2  }
0x73: {  	_ =	swait.ge @!p0 [sflag:s0], s1  }
0x74: {  	s1 =	ssub.s32 @!p0 $0x0, s1;
	[sflag:s0] =	ssyncset.done @!p0 $0x0  }
0x75: {  	[sflag:s0] =	ssyncadd.s32 @!p0 s1  }
0x76: {  	[bflag:$0x3] =	sbarrier.arrive $0xFFFF  }
0x77: {  	_ =	shalt  }

// kernel: kernel.19.cloned.1.call-start
scs
__scs_entry_jumppad:
0x0: {  	(pc) =	sbr.rel $0x88, $3  }
0x1: {  	(tag) =	ssettag $0x0;
	lr =	simm.s32 $0x1  }
0x2: {  	[smem:$0x3F97] =	sst lr;
	_ =	strace $0xD0000000  }
0x3: {  	_ = 	snop  }
0x4: {  	_ = 	snop  }
0x5: {  	_ = 	snop  }
0x6: {  	_ = 	snop  }
0x7: {  	_ = 	snop  }
__scs_overlays_trampoline_lowered:
0x8: {  	[smem:$0x3FA6] =	sst s0  }
0x9: {  	[smem:$0x3FA7] =	sst s1  }
0xa: {  	[smem:$0x3FA8] =	sst s2  }
0xb: {  	[smem:$0x3FA9] =	sst s3  }
0xc: {  	[smem:$0x3FAA] =	sst s4  }
0xd: {  	[smem:$0x3FAB] =	sst s5  }
0xe: {  	[smem:$0x3FAC] =	sst s6  }
0xf: {  	[smem:$0x3FAD] =	sst s7  }
0x10: {  	[smem:$0x3FAE] =	sst s8  }
0x11: {  	[smem:$0x3FAF] =	sst s9;
	s0 =	simm.s32 @!p0 $0x0  }
0x12: {  	s1 =	sld [smem:$0x3F95];
	s0 =	simm.s32 @p0 $0x1  }
0x13: {  	[smem:$0x3FB0] =	sst s0;
	s0 =	simm.s32 @!p1 $0x0  }
0x14: {  	s2 =	sld [smem:$0x3F94];
	s0 =	simm.s32 @p1 $0x1  }
0x15: {  	[smem:$0x3FB1] =	sst s0;
	s0 =	simm.s32 @!p2 $0x0  }
0x16: {  	s3 =	sld [smem:$0x3FDB];
	s0 =	simm.s32 @p2 $0x1  }
0x17: {  	s4 =	simm.s32 $0x1BF5;
	[smem:$0x3FB3] =	sst s0  }
0x18: {  	s0 =	sld [smem:$0x3F96];
	_ =	swait.ge [sflag:s4], $0x0  }
0x19: {  	s7 =	sld [smem:$0x3F97]  }
0x1a: {  	s8 =	sadd.s32 $0xFFFFE003, lr  }
0x1b: {  	s9 =	sadd.s32 $0xFFFFFEF7, lr;
	s5 =	simm.s32 $0xFFFFFFFF;
	p2 =	slt.u32 s8, $0xFFFFF086  }
0x1c: {  	p1 =	slt.u32 s9, $0xF7A;
	s5 =	simm.s32 @!p2 $0x0  }
0x1d: {  	s5 =	simm.s32 @p1 $0x1;
	p0 =	seq.s32 s7, s2  }
0x1e: {  	s7 =	smul.u32 @!p0 $0xF7A, s2;
	p2 =	seq.s32 @!p0 s5, $0x0  }
0x1f: {  	s9 =	smul.u32 $0xF7A, s1;
	s8 =	simm.s32 @!p0 $0x1BF5;
	p2 =	por !p2, p0  }
0x20: {  	[sflag:s8] =	ssyncset.s32 @!p0 $0xFFFFF086;
	s6 =	sadd.s32 @!p0 s3, s7;
	s7 =	simm.s32 @!p0 $0x108  }
0x21: {  	s3 =	sadd.s32 s3, s9;
	s6 =	sadd.s32 @!p0 $0x88, s6;
	s7 =	simm.s32 @p2 $0x1082  }
0x22: {  	[simem:s7], [sflag:s8] =	dma.local @!p0 [hbm:s6], $0xF7A  }
0x23: {  	s9 =	sor.u32 $0xD0000000, s2;
	s6 =	simm.s32 $0x108;
	_ =	swait.ge @!p0 [sflag:s8], $0x0  }
0x24: {  	s3 =	sadd.s32 $0x88, s3;
	s6 =	simm.s32 @!p1 $0x1082;
	[sflag:s4] =	ssyncset.s32 $0xFFFFF086  }
0x25: {  	[simem:s6], [sflag:s4] =	dma.local [hbm:s3], $0xF7A  }
0x26: {  	[smem:$0x3F97] =	sst s1;
	(tag) =	ssettag s2;
	_ =	strace s9  }
0x27: {  	s1 =	sld [smem:$0x3FA7]  }
0x28: {  	s2 =	sld [smem:$0x3FA8]  }
0x29: {  	s4 =	sld [smem:$0x3FAA]  }
0x2a: {  	p0 =	seq.s32 s5, $0x0;
	s5 =	sld [smem:$0x3FAB]  }
0x2b: {  	s6 =	sld [smem:$0x3FAC]  }
0x2c: {  	s7 =	sld [smem:$0x3FAD]  }
0x2d: {  	s3 =	simm.s32 $0x108;
	s8 =	sld [smem:$0x3FAE]  }
0x2e: {  	s3 =	simm.s32 @!p0 $0x1082;
	s9 =	sld [smem:$0x3FAF]  }
0x2f: {  	lr =	sadd.s32 s0, s3;
	s0 =	sld [smem:$0x3FA6]  }
0x30: {  	s3 =	sld [smem:$0x3FA9]  }
0x31: {  	[smem:$0x3FB2] =	sst s10  }
0x32: {  	s10 =	sld [smem:$0x3FB0];
	_ =	sdelay $0x3  }
0x33: {  	p0 =	seq.s32 s10, $0x1;
	s10 =	sld [smem:$0x3FB2];
	_ =	sdelay $0x3  }
0x34: {  	[smem:$0x3FB2] =	sst s10  }
0x35: {  	s10 =	sld [smem:$0x3FB1];
	_ =	sdelay $0x3  }
0x36: {  	p1 =	seq.s32 s10, $0x1;
	s10 =	sld [smem:$0x3FB2];
	_ =	sdelay $0x3  }
0x37: {  	[smem:$0x3FB2] =	sst s10  }
0x38: {  	s10 =	sld [smem:$0x3FB3]  }
0x39: {  	_ = 	snop;
	(pc) =	sbr.ind lr, $3  }
0x3a: {  	_ = 	snop  }
0x3b: {  	_ = 	snop  }
0x3c: {  	p2 =	seq.s32 s10, $0x1;
	s10 =	sld [smem:$0x3FB2]  }
0x3d: {  	_ =	shalt  }
0x3e: {  	_ =	shalt  }
0x3f: {  	_ =	shalt  }
0x40: {  	_ =	shalt  }
0x41: {  	_ =	shalt  }
0x42: {  	_ =	shalt  }
0x43: {  	_ =	shalt  }
0x44: {  	_ =	shalt  }
0x45: {  	_ =	shalt  }
0x46: {  	_ =	shalt  }
0x47: {  	_ =	shalt  }
0x48: {  	_ =	shalt  }
0x49: {  	_ =	shalt  }
0x4a: {  	_ =	shalt  }
0x4b: {  	_ =	shalt  }
0x4c: {  	_ =	shalt  }
0x4d: {  	_ =	shalt  }
0x4e: {  	_ =	shalt  }
0x4f: {  	_ =	shalt  }
0x50: {  	_ =	shalt  }
0x51: {  	_ =	shalt  }
0x52: {  	_ =	shalt  }
0x53: {  	_ =	shalt  }
0x54: {  	_ =	shalt  }
0x55: {  	_ =	shalt  }
0x56: {  	_ =	shalt  }
0x57: {  	_ =	shalt  }
0x58: {  	_ =	shalt  }
0x59: {  	_ =	shalt  }
0x5a: {  	_ =	shalt  }
0x5b: {  	_ =	shalt  }
0x5c: {  	_ =	shalt  }
0x5d: {  	_ =	shalt  }
0x5e: {  	_ =	shalt  }
0x5f: {  	_ =	shalt  }
0x60: {  	_ =	shalt  }
0x61: {  	_ =	shalt  }
0x62: {  	_ =	shalt  }
0x63: {  	_ =	shalt  }
0x64: {  	_ =	shalt  }
0x65: {  	_ =	shalt  }
0x66: {  	_ =	shalt  }
0x67: {  	_ =	shalt  }
0x68: {  	_ =	shalt  }
0x69: {  	_ =	shalt  }
0x6a: {  	_ =	shalt  }
0x6b: {  	_ =	shalt  }
0x6c: {  	_ =	shalt  }
0x6d: {  	_ =	shalt  }
0x6e: {  	_ =	shalt  }
0x6f: {  	_ =	shalt  }
0x70: {  	_ =	shalt  }
0x71: {  	_ =	shalt  }
0x72: {  	_ =	shalt  }
0x73: {  	_ =	shalt  }
0x74: {  	_ =	shalt  }
0x75: {  	_ =	shalt  }
0x76: {  	_ =	shalt  }
0x77: {  	_ =	shalt  }
0x78: {  	_ =	shalt  }
0x79: {  	_ =	shalt  }
0x7a: {  	_ =	shalt  }
0x7b: {  	_ =	shalt  }
0x7c: {  	_ =	shalt  }
0x7d: {  	_ =	shalt  }
0x7e: {  	_ =	shalt  }
0x7f: {  	_ =	shalt  }
0x80: {  	_ =	shalt  }
0x81: {  	_ =	shalt  }
0x82: {  	_ =	shalt  }
0x83: {  	_ =	shalt  }
0x84: {  	_ =	shalt  }
0x85: {  	_ =	shalt  }
0x86: {  	_ =	shalt  }
0x87: {  	_ =	shalt  }
.Lfunc_end0:
.L_simem_size_0:
called_computation.2_lowered:
.L_overlay_start_0:
0x88: {  	s2 =	sld [smem:$0x3FD9]  }
0x89: {  	s3 =	sld [smem:$0x3FFE];
	_ =	sdelay $0x1  }
0x8a: {  	s1 =	srdreg.scid  }
0x8b: {  	s0 =	sand.u32 $0x1, s1  }
0x8c: {  	s16 =	sshll.u32 s0, $0xA;
	s2 =	sadd.s32 s3, s2  }
0x8d: {  	s2 =	sadd.s32 s2, s16  }
0x8e: {  	[smem:$0x3FBE] =	sst s2  }
0x8f: {  	_ = 	snop  }
0x90: {  	(tm) =	ssettm $0x1  }
0x91: {  	s17 =	sld [smem:$0x3FFB];
	_ =	sdelay $0x3  }
0x92: {  	_ =	strace s17  }
0x93: {  	s2 =	sld [smem:$0x3FFC];
	_ =	sdelay $0x3  }
0x94: {  	_ =	strace s2  }
0x95: {  	s2 =	sld [smem:$0x3FFD];
	_ =	sdelay $0x3  }
0x96: {  	_ =	strace s2  }
0x97: {  	_ =	strace $0x8FFFFFFF  }
0x98: {  	s18 =	sld [smem:$0x3FDB];
	_ =	sdelay $0x1  }
0x99: {  	s19 =	simm.s32 $_scs_section_size  }
0x9a: {  	s4 =	simm.s32 $_size__tile_overlayer_lowered;
	s5 =	simm.s32 $_tile_overlayer_lowered  }
0x9b: {  	s22 =	simm.s32 $0x1BFF;
	s21 =	sshll.u32 s5, $0x1;
	s2 =	sadd.s32 s19, s18  }
0x9c: {  	s6 =	simm.s32 $0x0;
	s20 =	sshll.u32 s4, $0x1;
	s4 =	sadd.s32 s21, s2  }
0x9d: {  	[timem:s6], [sflag:s22] =	dma.local [hbm:s4], s20  }
0x9e: {  	_ =	swait.ge [sflag:s22], s20  }
0x9f: {  	s3 =	ssub.s32 $0x0, s20;
	[sflag:s22] =	ssyncset.done $0x0  }
0xa0: {  	[sflag:s22] =	ssyncadd.s32 s3;
	_ =	sdelay $0x1  }
0xa1: {  	s23 =	simm.s32 $0x1B8B  }
0xa2: {  	_ =	swait.ge [sflag:s23], $0x1  }
0xa3: {  	[sflag:s23] =	ssyncset.done $0x0  }
0xa4: {  	s25 =	simm.s32 $0x1B8E;
	s24 =	sld [smem:$0x3FFE];
	[sflag:s23] =	ssyncadd.s32 $0xFFFFFFFF  }
0xa5: {  	s26 =	simm.s32 $execute0_lowered;
	[smem:$0x3FD2] =	sst s25  }
0xa6: {  	s4 =	sshll.u32 s26, $0x1;
	_ =	strace $0x8000004C;
	[dreg:$0x1] =	wrdreg $0xFFFFFFFF  }
0xa7: {  	s28 =	simm.s32 $_size_execute0_lowered;
	s2 =	sadd.s32 s2, s4;
	[dreg:$0x0] =	wrdreg $0x0  }
0xa8: {  	s4 =	sshll.u32 s28, $0x1;
	[dreg:$0x2] =	wrdreg s2  }
0xa9: {  	[dreg:$0x3] =	wrdreg s4  }
0xaa: {  	[dreg:$0x4] =	wrdreg $0xC0  }
0xab: {  	_ =	task [dreg:s6], $0x5FFFF  }
0xac: {  	[dreg:$0x1] =	wrdreg $0xFFFFFFFF  }
0xad: {  	[dreg:$0x0] =	wrdreg $0x60  }
0xae: {  	[dreg:$0x2] =	wrdreg s24  }
0xaf: {  	[dreg:$0x3] =	wrdreg $0x9  }
0xb0: {  	_ =	task.clear_ibuf [dreg:s6], $0x4FFFF;
	_ =	strace $0x9000004C  }
0xb1: {  	s29 =	simm.s32 $0x9;
	_ =	strace $0x8000004E  }
0xb2: {  	_ =	swait.ge [sflag:s29], $0x1  }
0xb3: {  	[sflag:s29] =	ssyncadd.s32 $0xFFFFFFFF  }
0xb4: {  	_ =	strace $0x9000004E  }
0xb5: {  	_ =	sfence  }
0xb6: {  	s30 =	sld [smem:$0x0];
	_ =	sdelay $0x2  }
0xb7: {  	s31 =	sshll.u32 s1, $0xD;
	s1 =	sshrl.u32 s1, $0x2  }
0xb8: {  	s3 =	sand.u32 $0x4000, s31;
	s1 =	sadd.s32 s1, s30  }
0xb9: {  	s0 =	sor.u32 s3, s0;
	s1 =	sshll.u32 s1, $0x11  }
0xba: {  	s0 =	sor.u32 s1, s0  }
0xbb: {  	s0 =	sadd.s32 $0x8F2B, s0  }
0xbc: {  	[sflag:s0] =	ssyncadd.remote.s32 $0x1  }
0xbd: {  	_ =	sfence.sel $0xFFFF  }
0xbe: {  	[dreg:$0x0] =	wrdreg $0xFFFFFFFF;
	(pc) =	sbr.abs _section_cstart, $3  }
0xbf: {  	[dreg:$0x1] =	wrdreg $0xFFFFFFFF  }
0xc0: {  	_ =	task.clear_ibuf [dreg:s6], $0x2FFFF;
	_ =	strace $0x9FFFFFFF  }
0xc1: {  	(tm) =	ssettm $0x7FFFFFFF  }
tec
execute0_lowered:
.L_overlay_start_1:
0x0: {  	(tag) =	ssettag $0x1  }
0x1: {  	s1 =	srdreg.scid;
	s0 =	stileid.u32  }
0x2: {  	s14 =	sand.u32 $0x1, s1;
	s28 =	sshll.u32 s0, $0x1  }
0x3: {  	s8 =	sor.u32 s14, s28  }
0x4: {  	s9 =	rddreg [dreg:$0x0];
	s13 =	smul.u32 $0xA00, s8  }
0x5: {  	s2 =	simm.s32 $0x0;
	s1 =	rddreg [dreg:$0x1]  }
0x6: {  	[smem:$0x7FF] =	sst s2;
	s15 =	sadd.s32 $0x3A00, s9;
	s3 =	sshrl.u32 s13, $0x3  }
0x7: {  	_ =	strace $0x8000004D;
	s4 =	sadd.s32 s15, s3;
	s3 =	simm.s32 $0x2  }
0x8: {  	[tilespmem:s2], [sflag:$0x2] =	stream.linear.gather [hbm4b:s4+s2], $0x280, $0x38;
	[tilespmem:$0x14280] =	vst v63  }
0x9: {  	_ =	swait.ge [sflag:s3], $0x280  }
0xa: {  	s6 =	simm.s32 $0x280;
	[sflag:s3] =	ssyncset.done $0x0  }
0xb: {  	s7 =	simm.s32 $0x1;
	s5 =	sadd.s32 $0x6200, s9;
	[sflag:s3] =	ssyncadd.s32 $0xFFFFFD80  }
0xc: {  	[tilespmem:s6], [sflag:$0x1] =	stream.indirect.gather [hbm4b:s5+s6], $0x80, s2, s6, $0xb8;
	[tilespmem:$0x14280] =	vst v63  }
0xd: {  	s8 =	smul.u32 $0xA000, s8;
	_ =	swait.ge [sflag:s7], $0x14000  }
0xe: {  	s16 =	sadd.s32 $0x2E200, s9;
	[sflag:s7] =	ssyncset.done $0x0  }
0xf: {  	s8 =	sadd.s32 s16, s8;
	[sflag:s7] =	ssyncadd.s32 $0xFFFEC000  }
0x10: {  	[hbm4b:s8+s2] =	stream.linear.scatter [tilespmem:s6], [sflag:$0x2], $0x14000, $0x38;
	[tilespmem:$0x14280] =	vst v63  }
0x11: {  	s10 =	sadd.s32 $0x280, s13;
	_ =	swait.ge [sflag:s3], $0x14000  }
0x12: {  	s29 =	sshrl.u32 s10, $0x3;
	[sflag:s3] =	ssyncset.done $0x0  }
0x13: {  	s9 =	sadd.s32 s15, s29;
	[sflag:s3] =	ssyncadd.s32 $0xFFFEC000  }
0x14: {  	[tilespmem:s2], [sflag:$0x2] =	stream.linear.gather [hbm4b:s9+s2], $0x280, $0x38;
	[tilespmem:$0x14280] =	vst v63  }
0x15: {  	_ =	swait.ge [sflag:s3], $0x280  }
0x16: {  	[sflag:s3] =	ssyncset.done $0x0  }
0x17: {  	[sflag:s3] =	ssyncadd.s32 $0xFFFFFD80  }
0x18: {  	[tilespmem:s6], [sflag:$0x1] =	stream.indirect.gather [hbm4b:s5+s6], $0x80, s2, s6, $0xb8;
	[tilespmem:$0x14280] =	vst v63  }
0x19: {  	_ =	swait.ge [sflag:s7], $0x14000  }
0x1a: {  	s10 =	sshll.u32 s10, $0x4;
	[sflag:s7] =	ssyncset.done $0x0  }
0x1b: {  	s10 =	sadd.s32 s16, s10;
	[sflag:s7] =	ssyncadd.s32 $0xFFFEC000  }
0x1c: {  	[hbm4b:s10+s2] =	stream.linear.scatter [tilespmem:s6], [sflag:$0x2], $0x14000, $0x38;
	[tilespmem:$0x14280] =	vst v63  }
0x1d: {  	s12 =	sadd.s32 $0x500, s13;
	_ =	swait.ge [sflag:s3], $0x14000  }
0x1e: {  	s11 =	sshrl.u32 s12, $0x3;
	[sflag:s3] =	ssyncset.done $0x0  }
0x1f: {  	s11 =	sadd.s32 s15, s11;
	[sflag:s3] =	ssyncadd.s32 $0xFFFEC000  }
0x20: {  	[tilespmem:s2], [sflag:$0x2] =	stream.linear.gather [hbm4b:s11+s2], $0x280, $0x38;
	[tilespmem:$0x14280] =	vst v63  }
0x21: {  	_ =	swait.ge [sflag:s3], $0x280  }
0x22: {  	[sflag:s3] =	ssyncset.done $0x0  }
0x23: {  	[sflag:s3] =	ssyncadd.s32 $0xFFFFFD80  }
0x24: {  	[tilespmem:s6], [sflag:$0x1] =	stream.indirect.gather [hbm4b:s5+s6], $0x80, s2, s6, $0xb8;
	[tilespmem:$0x14280] =	vst v63  }
0x25: {  	_ =	swait.ge [sflag:s7], $0x14000  }
0x26: {  	s12 =	sshll.u32 s12, $0x4;
	[sflag:s7] =	ssyncset.done $0x0  }
0x27: {  	s12 =	sadd.s32 s16, s12;
	[sflag:s7] =	ssyncadd.s32 $0xFFFEC000  }
0x28: {  	[hbm4b:s12+s2] =	stream.linear.scatter [tilespmem:s6], [sflag:$0x2], $0x14000, $0x38;
	[tilespmem:$0x14280] =	vst v63  }
0x29: {  	s17 =	sadd.s32 $0x780, s13;
	_ =	swait.ge [sflag:s3], $0x14000  }
0x2a: {  	s13 =	sshrl.u32 s17, $0x3;
	[sflag:s3] =	ssyncset.done $0x0  }
0x2b: {  	s14 =	ssub.s32 $0x2, s14;
	s13 =	sadd.s32 s15, s13;
	[sflag:s3] =	ssyncadd.s32 $0xFFFEC000  }
0x2c: {  	[tilespmem:s2], [sflag:$0x2] =	stream.linear.gather [hbm4b:s13+s2], $0x280, $0x38;
	[tilespmem:$0x14280] =	vst v63  }
0x2d: {  	s30 =	sshrl.u32 s14, $0x1;
	_ =	swait.ge [sflag:s3], $0x280  }
0x2e: {  	s15 =	ssub.s32 s14, s30;
	[sflag:s3] =	ssyncset.done $0x0  }
0x2f: {  	s15 =	smax.u32 s15, $0x1;
	[sflag:s3] =	ssyncadd.s32 $0xFFFFFD80  }
0x30: {  	[tilespmem:s6], [sflag:$0x1] =	stream.indirect.gather [hbm4b:s5+s6], $0x80, s2, s6, $0xb8;
	[tilespmem:$0x14280] =	vst v63  }
0x31: {  	p0 =	sne.s32 s15, $0x1;
	_ =	swait.ge [sflag:s7], $0x14000  }
.Ltmp0:
0x32: {  	s31 =	sshll.u32 s17, $0x4;
	[sflag:s7] =	ssyncset.done $0x0;
	(pc) =	sbr.rel @!p0 .LBB2_2-.Ltmp0, $4  }
0x33: {  	s14 =	sadd.s32 s16, s31;
	[sflag:s7] =	ssyncadd.s32 $0xFFFEC000  }
0x34: {  	[hbm4b:s14+s2] =	stream.linear.scatter [tilespmem:s6], [sflag:$0x2], $0x14000, $0x38;
	[tilespmem:$0x14280] =	vst v63  }
0x35: {  	_ =	swait.ge [sflag:s3], $0x14000  }
0x36: {  	s15 =	sadd.s32 $0xFFFFFFFF, s15;
	[sflag:s3] =	ssyncset.done $0x0  }
.LBB2_1:
0x37: {  	p0 =	sne.s32 s15, $0x1;
	s15 =	sadd.s32 $0xFFFFFFFF, s15;
	[sflag:s3] =	ssyncadd.s32 $0xFFFEC000  }
0x38: {  	[tilespmem:s2], [sflag:$0x2] =	stream.linear.gather [hbm4b:s4+s2], $0x280, $0x38;
	[tilespmem:$0x14280] =	vst v63  }
0x39: {  	_ =	swait.ge [sflag:s3], $0x280  }
0x3a: {  	[sflag:s3] =	ssyncset.done $0x0  }
0x3b: {  	[sflag:s3] =	ssyncadd.s32 $0xFFFFFD80  }
0x3c: {  	[tilespmem:s6], [sflag:$0x1] =	stream.indirect.gather [hbm4b:s5+s6], $0x80, s2, s6, $0xb8;
	[tilespmem:$0x14280] =	vst v63  }
0x3d: {  	_ =	swait.ge [sflag:s7], $0x14000  }
0x3e: {  	[sflag:s7] =	ssyncset.done $0x0  }
0x3f: {  	[sflag:s7] =	ssyncadd.s32 $0xFFFEC000  }
0x40: {  	[hbm4b:s8+s2] =	stream.linear.scatter [tilespmem:s6], [sflag:$0x2], $0x14000, $0x38;
	[tilespmem:$0x14280] =	vst v63  }
0x41: {  	_ =	swait.ge [sflag:s3], $0x14000  }
0x42: {  	[sflag:s3] =	ssyncset.done $0x0  }
0x43: {  	[sflag:s3] =	ssyncadd.s32 $0xFFFEC000  }
0x44: {  	[tilespmem:s2], [sflag:$0x2] =	stream.linear.gather [hbm4b:s9+s2], $0x280, $0x38;
	[tilespmem:$0x14280] =	vst v63  }
0x45: {  	_ =	swait.ge [sflag:s3], $0x280  }
0x46: {  	[sflag:s3] =	ssyncset.done $0x0  }
0x47: {  	[sflag:s3] =	ssyncadd.s32 $0xFFFFFD80  }
0x48: {  	[tilespmem:s6], [sflag:$0x1] =	stream.indirect.gather [hbm4b:s5+s6], $0x80, s2, s6, $0xb8;
	[tilespmem:$0x14280] =	vst v63  }
0x49: {  	_ =	swait.ge [sflag:s7], $0x14000  }
0x4a: {  	[sflag:s7] =	ssyncset.done $0x0  }
0x4b: {  	[sflag:s7] =	ssyncadd.s32 $0xFFFEC000  }
0x4c: {  	[hbm4b:s10+s2] =	stream.linear.scatter [tilespmem:s6], [sflag:$0x2], $0x14000, $0x38;
	[tilespmem:$0x14280] =	vst v63  }
0x4d: {  	_ =	swait.ge [sflag:s3], $0x14000  }
0x4e: {  	[sflag:s3] =	ssyncset.done $0x0  }
0x4f: {  	[sflag:s3] =	ssyncadd.s32 $0xFFFEC000  }
0x50: {  	[tilespmem:s2], [sflag:$0x2] =	stream.linear.gather [hbm4b:s11+s2], $0x280, $0x38;
	[tilespmem:$0x14280] =	vst v63  }
0x51: {  	_ =	swait.ge [sflag:s3], $0x280  }
0x52: {  	[sflag:s3] =	ssyncset.done $0x0  }
0x53: {  	[sflag:s3] =	ssyncadd.s32 $0xFFFFFD80  }
0x54: {  	[tilespmem:s6], [sflag:$0x1] =	stream.indirect.gather [hbm4b:s5+s6], $0x80, s2, s6, $0xb8;
	[tilespmem:$0x14280] =	vst v63  }
0x55: {  	_ =	swait.ge [sflag:s7], $0x14000  }
0x56: {  	[sflag:s7] =	ssyncset.done $0x0  }
0x57: {  	[sflag:s7] =	ssyncadd.s32 $0xFFFEC000  }
0x58: {  	[hbm4b:s12+s2] =	stream.linear.scatter [tilespmem:s6], [sflag:$0x2], $0x14000, $0x38;
	[tilespmem:$0x14280] =	vst v63  }
0x59: {  	_ =	swait.ge [sflag:s3], $0x14000  }
0x5a: {  	[sflag:s3] =	ssyncset.done $0x0  }
0x5b: {  	[sflag:s3] =	ssyncadd.s32 $0xFFFEC000  }
0x5c: {  	[tilespmem:s2], [sflag:$0x2] =	stream.linear.gather [hbm4b:s13+s2], $0x280, $0x38;
	[tilespmem:$0x14280] =	vst v63  }
0x5d: {  	_ =	swait.ge [sflag:s3], $0x280  }
0x5e: {  	[sflag:s3] =	ssyncset.done $0x0  }
0x5f: {  	[sflag:s3] =	ssyncadd.s32 $0xFFFFFD80  }
0x60: {  	[tilespmem:s6], [sflag:$0x1] =	stream.indirect.gather [hbm4b:s5+s6], $0x80, s2, s6, $0xb8;
	[tilespmem:$0x14280] =	vst v63  }
0x61: {  	_ =	swait.ge [sflag:s7], $0x14000  }
.Ltmp1:
0x62: {  	[sflag:s7] =	ssyncset.done $0x0;
	(pc) =	sbr.rel @p0 .LBB2_1-.Ltmp1, $4  }
0x63: {  	[sflag:s7] =	ssyncadd.s32 $0xFFFEC000  }
0x64: {  	[hbm4b:s14+s2] =	stream.linear.scatter [tilespmem:s6], [sflag:$0x2], $0x14000, $0x38;
	[tilespmem:$0x14280] =	vst v63  }
0x65: {  	_ =	swait.ge [sflag:s3], $0x14000  }
0x66: {  	[sflag:s3] =	ssyncset.done $0x0  }
.LBB2_2:
0x67: {  	[sflag:s3] =	ssyncadd.s32 $0xFFFEC000  }
0x68: {  	_ =	sfence.sel $0x180000  }
0x69: {  	[bflag:$0x0] =	sbarrier.arrive $0xFFFF  }
0x6a: {  	p0 =	sne.s32 s0, $0x0;
	_ =	strace $0x9000004D  }
0x6b: {  	s0 =	sadd.s32 @!p0 $0x100000, s1;
	[bflag:$0x2] =	sbarrier.arrive $0xFFFF  }
0x6c: {  	[sflag:s0] =	ssyncadd.tile.s32 @!p0 $0x1;
	_ =	shalt  }
.Lfunc_end2:
_tile_overlayer_lowered:
.L_overlay_start_2:
0x6d: {  	(tag) =	ssettag $0x2  }
0x6e: {  	s0 =	rddreg [dreg:$0x0];
	s2 =	stileid.u32  }
0x6f: {  	s1 =	rddreg [dreg:$0x1];
	p0 =	sne.s32 s2, $0x0  }
0x70: {  	s3 =	rddreg [dreg:$0x2];
	[bflag:$0x3] =	sbarrier.arrive $0xFFFF;
	s2 =	simm.s32 @!p0 $0x1C02  }
0x71: {  	[timem:s3], [sflag:s2] =	dma.local @!p0 [hbm:s0], s1  }
0x72: {  	s0 =	simm.s32 @!p0 $0x2  }
0x73: {  	_ =	swait.ge @!p0 [sflag:s0], s1  }
0x74: {  	s1 =	ssub.s32 @!p0 $0x0, s1;
	[sflag:s0] =	ssyncset.done @!p0 $0x0  }
0x75: {  	[sflag:s0] =	ssyncadd.s32 @!p0 s1  }
0x76: {  	[bflag:$0x3] =	sbarrier.arrive $0xFFFF  }
0x77: {  	_ =	shalt  }

// kernel: kernel.22.cloned.1.call-start
scs
__scs_entry_jumppad:
0x0: {  	(pc) =	sbr.rel $0x88, $3  }
0x1: {  	(tag) =	ssettag $0x0;
	lr =	simm.s32 $0x1  }
0x2: {  	[smem:$0x3F97] =	sst lr;
	_ =	strace $0xD0000000  }
0x3: {  	_ = 	snop  }
0x4: {  	_ = 	snop  }
0x5: {  	_ = 	snop  }
0x6: {  	_ = 	snop  }
0x7: {  	_ = 	snop  }
__scs_overlays_trampoline_lowered:
0x8: {  	[smem:$0x3FA6] =	sst s0  }
0x9: {  	[smem:$0x3FA7] =	sst s1  }
0xa: {  	[smem:$0x3FA8] =	sst s2  }
0xb: {  	[smem:$0x3FA9] =	sst s3  }
0xc: {  	[smem:$0x3FAA] =	sst s4  }
0xd: {  	[smem:$0x3FAB] =	sst s5  }
0xe: {  	[smem:$0x3FAC] =	sst s6  }
0xf: {  	[smem:$0x3FAD] =	sst s7  }
0x10: {  	[smem:$0x3FAE] =	sst s8  }
0x11: {  	[smem:$0x3FAF] =	sst s9;
	s0 =	simm.s32 @!p0 $0x0  }
0x12: {  	s1 =	sld [smem:$0x3F95];
	s0 =	simm.s32 @p0 $0x1  }
0x13: {  	[smem:$0x3FB0] =	sst s0;
	s0 =	simm.s32 @!p1 $0x0  }
0x14: {  	s2 =	sld [smem:$0x3F94];
	s0 =	simm.s32 @p1 $0x1  }
0x15: {  	[smem:$0x3FB1] =	sst s0;
	s0 =	simm.s32 @!p2 $0x0  }
0x16: {  	s3 =	sld [smem:$0x3FDB];
	s0 =	simm.s32 @p2 $0x1  }
0x17: {  	s4 =	simm.s32 $0x1BF5;
	[smem:$0x3FB3] =	sst s0  }
0x18: {  	s0 =	sld [smem:$0x3F96];
	_ =	swait.ge [sflag:s4], $0x0  }
0x19: {  	s7 =	sld [smem:$0x3F97]  }
0x1a: {  	s8 =	sadd.s32 $0xFFFFE003, lr  }
0x1b: {  	s9 =	sadd.s32 $0xFFFFFEF7, lr;
	s5 =	simm.s32 $0xFFFFFFFF;
	p2 =	slt.u32 s8, $0xFFFFF086  }
0x1c: {  	p1 =	slt.u32 s9, $0xF7A;
	s5 =	simm.s32 @!p2 $0x0  }
0x1d: {  	s5 =	simm.s32 @p1 $0x1;
	p0 =	seq.s32 s7, s2  }
0x1e: {  	s7 =	smul.u32 @!p0 $0xF7A, s2;
	p2 =	seq.s32 @!p0 s5, $0x0  }
0x1f: {  	s9 =	smul.u32 $0xF7A, s1;
	s8 =	simm.s32 @!p0 $0x1BF5;
	p2 =	por !p2, p0  }
0x20: {  	[sflag:s8] =	ssyncset.s32 @!p0 $0xFFFFF086;
	s6 =	sadd.s32 @!p0 s3, s7;
	s7 =	simm.s32 @!p0 $0x108  }
0x21: {  	s3 =	sadd.s32 s3, s9;
	s6 =	sadd.s32 @!p0 $0x88, s6;
	s7 =	simm.s32 @p2 $0x1082  }
0x22: {  	[simem:s7], [sflag:s8] =	dma.local @!p0 [hbm:s6], $0xF7A  }
0x23: {  	s9 =	sor.u32 $0xD0000000, s2;
	s6 =	simm.s32 $0x108;
	_ =	swait.ge @!p0 [sflag:s8], $0x0  }
0x24: {  	s3 =	sadd.s32 $0x88, s3;
	s6 =	simm.s32 @!p1 $0x1082;
	[sflag:s4] =	ssyncset.s32 $0xFFFFF086  }
0x25: {  	[simem:s6], [sflag:s4] =	dma.local [hbm:s3], $0xF7A  }
0x26: {  	[smem:$0x3F97] =	sst s1;
	(tag) =	ssettag s2;
	_ =	strace s9  }
0x27: {  	s1 =	sld [smem:$0x3FA7]  }
0x28: {  	s2 =	sld [smem:$0x3FA8]  }
0x29: {  	s4 =	sld [smem:$0x3FAA]  }
0x2a: {  	p0 =	seq.s32 s5, $0x0;
	s5 =	sld [smem:$0x3FAB]  }
0x2b: {  	s6 =	sld [smem:$0x3FAC]  }
0x2c: {  	s7 =	sld [smem:$0x3FAD]  }
0x2d: {  	s3 =	simm.s32 $0x108;
	s8 =	sld [smem:$0x3FAE]  }
0x2e: {  	s3 =	simm.s32 @!p0 $0x1082;
	s9 =	sld [smem:$0x3FAF]  }
0x2f: {  	lr =	sadd.s32 s0, s3;
	s0 =	sld [smem:$0x3FA6]  }
0x30: {  	s3 =	sld [smem:$0x3FA9]  }
0x31: {  	[smem:$0x3FB2] =	sst s10  }
0x32: {  	s10 =	sld [smem:$0x3FB0];
	_ =	sdelay $0x3  }
0x33: {  	p0 =	seq.s32 s10, $0x1;
	s10 =	sld [smem:$0x3FB2];
	_ =	sdelay $0x3  }
0x34: {  	[smem:$0x3FB2] =	sst s10  }
0x35: {  	s10 =	sld [smem:$0x3FB1];
	_ =	sdelay $0x3  }
0x36: {  	p1 =	seq.s32 s10, $0x1;
	s10 =	sld [smem:$0x3FB2];
	_ =	sdelay $0x3  }
0x37: {  	[smem:$0x3FB2] =	sst s10  }
0x38: {  	s10 =	sld [smem:$0x3FB3]  }
0x39: {  	_ = 	snop;
	(pc) =	sbr.ind lr, $3  }
0x3a: {  	_ = 	snop  }
0x3b: {  	_ = 	snop  }
0x3c: {  	p2 =	seq.s32 s10, $0x1;
	s10 =	sld [smem:$0x3FB2]  }
0x3d: {  	_ =	shalt  }
0x3e: {  	_ =	shalt  }
0x3f: {  	_ =	shalt  }
0x40: {  	_ =	shalt  }
0x41: {  	_ =	shalt  }
0x42: {  	_ =	shalt  }
0x43: {  	_ =	shalt  }
0x44: {  	_ =	shalt  }
0x45: {  	_ =	shalt  }
0x46: {  	_ =	shalt  }
0x47: {  	_ =	shalt  }
0x48: {  	_ =	shalt  }
0x49: {  	_ =	shalt  }
0x4a: {  	_ =	shalt  }
0x4b: {  	_ =	shalt  }
0x4c: {  	_ =	shalt  }
0x4d: {  	_ =	shalt  }
0x4e: {  	_ =	shalt  }
0x4f: {  	_ =	shalt  }
0x50: {  	_ =	shalt  }
0x51: {  	_ =	shalt  }
0x52: {  	_ =	shalt  }
0x53: {  	_ =	shalt  }
0x54: {  	_ =	shalt  }
0x55: {  	_ =	shalt  }
0x56: {  	_ =	shalt  }
0x57: {  	_ =	shalt  }
0x58: {  	_ =	shalt  }
0x59: {  	_ =	shalt  }
0x5a: {  	_ =	shalt  }
0x5b: {  	_ =	shalt  }
0x5c: {  	_ =	shalt  }
0x5d: {  	_ =	shalt  }
0x5e: {  	_ =	shalt  }
0x5f: {  	_ =	shalt  }
0x60: {  	_ =	shalt  }
0x61: {  	_ =	shalt  }
0x62: {  	_ =	shalt  }
0x63: {  	_ =	shalt  }
0x64: {  	_ =	shalt  }
0x65: {  	_ =	shalt  }
0x66: {  	_ =	shalt  }
0x67: {  	_ =	shalt  }
0x68: {  	_ =	shalt  }
0x69: {  	_ =	shalt  }
0x6a: {  	_ =	shalt  }
0x6b: {  	_ =	shalt  }
0x6c: {  	_ =	shalt  }
0x6d: {  	_ =	shalt  }
0x6e: {  	_ =	shalt  }
0x6f: {  	_ =	shalt  }
0x70: {  	_ =	shalt  }
0x71: {  	_ =	shalt  }
0x72: {  	_ =	shalt  }
0x73: {  	_ =	shalt  }
0x74: {  	_ =	shalt  }
0x75: {  	_ =	shalt  }
0x76: {  	_ =	shalt  }
0x77: {  	_ =	shalt  }
0x78: {  	_ =	shalt  }
0x79: {  	_ =	shalt  }
0x7a: {  	_ =	shalt  }
0x7b: {  	_ =	shalt  }
0x7c: {  	_ =	shalt  }
0x7d: {  	_ =	shalt  }
0x7e: {  	_ =	shalt  }
0x7f: {  	_ =	shalt  }
0x80: {  	_ =	shalt  }
0x81: {  	_ =	shalt  }
0x82: {  	_ =	shalt  }
0x83: {  	_ =	shalt  }
0x84: {  	_ =	shalt  }
0x85: {  	_ =	shalt  }
0x86: {  	_ =	shalt  }
0x87: {  	_ =	shalt  }
.Lfunc_end0:
.L_simem_size_0:
called_computation.3_lowered:
.L_overlay_start_0:
0x88: {  	s2 =	sld [smem:$0x3FD9]  }
0x89: {  	s3 =	sld [smem:$0x3FFE];
	_ =	sdelay $0x1  }
0x8a: {  	s1 =	srdreg.scid  }
0x8b: {  	s0 =	sand.u32 $0x1, s1  }
0x8c: {  	s17 =	sshll.u32 s0, $0xA;
	s2 =	sadd.s32 s3, s2  }
0x8d: {  	s2 =	sadd.s32 s2, s17  }
0x8e: {  	[smem:$0x3FBE] =	sst s2  }
0x8f: {  	_ = 	snop  }
0x90: {  	s18 =	sld [smem:$0x3FD0];
	(tm) =	ssettm $0x1  }
0x91: {  	s19 =	sld [smem:$0x3FFB];
	_ =	sdelay $0x3  }
0x92: {  	_ =	strace s19  }
0x93: {  	s2 =	sld [smem:$0x3FFC];
	_ =	sdelay $0x3  }
0x94: {  	_ =	strace s2  }
0x95: {  	s2 =	sld [smem:$0x3FFD];
	_ =	sdelay $0x3  }
0x96: {  	_ =	strace s2  }
0x97: {  	_ =	strace $0x8FFFFFFF  }
0x98: {  	s20 =	sld [smem:$0x3FDB];
	_ =	sdelay $0x1  }
0x99: {  	s4 =	simm.s32 $_scs_section_size  }
0x9a: {  	s5 =	simm.s32 $_size__tile_overlayer_lowered;
	s6 =	simm.s32 $_tile_overlayer_lowered  }
0x9b: {  	s7 =	simm.s32 $0x1BFF;
	s21 =	sshll.u32 s6, $0x1;
	s4 =	sadd.s32 s4, s20  }
0x9c: {  	s22 =	simm.s32 $0x0;
	s5 =	sshll.u32 s5, $0x1;
	s6 =	sadd.s32 s21, s4  }
0x9d: {  	[timem:s22], [sflag:s7] =	dma.local [hbm:s6], s5  }
0x9e: {  	_ =	swait.ge [sflag:s7], s5  }
0x9f: {  	s5 =	ssub.s32 $0x0, s5;
	[sflag:s7] =	ssyncset.done $0x0  }
0xa0: {  	[sflag:s7] =	ssyncadd.s32 s5;
	_ =	sdelay $0x1  }
0xa1: {  	s23 =	simm.s32 $0x1B8B  }
0xa2: {  	_ =	swait.ge [sflag:s23], $0x1  }
0xa3: {  	[sflag:s23] =	ssyncset.done $0x0  }
0xa4: {  	[sflag:s23] =	ssyncadd.s32 $0xFFFFFFFF  }
0xa5: {  	s5 =	sld [smem:$0x0]  }
0xa6: {  	s6 =	sand.u32 $0xFFFFFFFE, s1  }
0xa7: {  	p0 =	sne.s32 s1, s6  }
0xa8: {  	s6 =	sshll.u32 @p0 s6, $0xE  }
0xa9: {  	s6 =	sadd.s32 @p0 $0x11B8D, s6;
	s7 =	sshll.u32 @p0 s5, $0x11  }
0xaa: {  	s6 =	sor.u32 @p0 s7, s6  }
0xab: {  	[sflag:s6] =	ssyncadd.remote.s32 @p0 $0x1;
	_ =	sdelay $0x1  }
0xac: {  	s6 =	simm.s32 @p0 $0x1B8D  }
0xad: {  	_ =	swait.eq @p0 [sflag:s6], $0x1  }
0xae: {  	[sflag:s6] =	ssyncadd.s32 @p0 $0xFFFFFFFF  }
0xaf: {  	s7 =	sshll.u32 @!p0 s1, $0xE  }
0xb0: {  	s7 =	sor.u32 @!p0 $0x4000, s7;
	s6 =	simm.s32 @!p0 $0x1B8D  }
0xb1: {  	s5 =	sshll.u32 @!p0 s5, $0x11;
	s7 =	sadd.s32 @!p0 $0x11B8D, s7;
	_ =	swait.eq @!p0 [sflag:s6], $0x1  }
0xb2: {  	s5 =	sor.u32 @!p0 s5, s7;
	[sflag:s6] =	ssyncadd.s32 @!p0 $0xFFFFFFFF  }
0xb3: {  	s25 =	simm.s32 $0x1B8E;
	s24 =	sld [smem:$0x3FFE];
	[sflag:s5] =	ssyncadd.remote.s32 @!p0 $0x1  }
0xb4: {  	s26 =	simm.s32 $execute0_lowered;
	[smem:$0x3FD2] =	sst s25  }
0xb5: {  	s6 =	sshll.u32 s26, $0x1;
	_ =	strace $0x8000004F;
	[dreg:$0x1] =	wrdreg $0xFFFFFFFF  }
0xb6: {  	s28 =	simm.s32 $_size_execute0_lowered;
	s4 =	sadd.s32 s4, s6;
	[dreg:$0x0] =	wrdreg $0x0  }
0xb7: {  	s6 =	sshll.u32 s28, $0x1;
	[dreg:$0x2] =	wrdreg s4  }
0xb8: {  	[dreg:$0x3] =	wrdreg s6  }
0xb9: {  	[dreg:$0x4] =	wrdreg $0xC0  }
0xba: {  	_ =	task [dreg:s22], $0x5FFFF  }
0xbb: {  	[dreg:$0x1] =	wrdreg $0xFFFFFFFF  }
0xbc: {  	[dreg:$0x0] =	wrdreg $0x60  }
0xbd: {  	[dreg:$0x2] =	wrdreg s24  }
0xbe: {  	[dreg:$0x3] =	wrdreg s18  }
0xbf: {  	[dreg:$0x4] =	wrdreg $0xA  }
0xc0: {  	_ =	task.clear_ibuf [dreg:s22], $0x5FFFF;
	_ =	strace $0x9000004F  }
0xc1: {  	s29 =	simm.s32 $0xA;
	_ =	strace $0x80000051  }
0xc2: {  	_ =	swait.ge [sflag:s29], $0x1  }
0xc3: {  	[sflag:s29] =	ssyncadd.s32 $0xFFFFFFFF  }
0xc4: {  	_ =	strace $0x90000051  }
0xc5: {  	_ =	sfence  }
0xc6: {  	s30 =	sld [smem:$0x0];
	_ =	sdelay $0x2  }
0xc7: {  	s31 =	sshll.u32 s1, $0xD;
	s1 =	sshrl.u32 s1, $0x2  }
0xc8: {  	s4 =	sand.u32 $0x4000, s31;
	s1 =	sadd.s32 s1, s30  }
0xc9: {  	s0 =	sor.u32 s4, s0;
	s1 =	sshll.u32 s1, $0x11  }
0xca: {  	s0 =	sor.u32 s1, s0  }
0xcb: {  	s0 =	sadd.s32 $0x8F2B, s0  }
0xcc: {  	[sflag:s0] =	ssyncadd.remote.s32 $0x1  }
0xcd: {  	_ =	sfence.sel $0xFFFF  }
0xce: {  	[dreg:$0x0] =	wrdreg $0xFFFFFFFF;
	(pc) =	sbr.abs _section_cstart, $3  }
0xcf: {  	[dreg:$0x1] =	wrdreg $0xFFFFFFFF  }
0xd0: {  	_ =	task.clear_ibuf [dreg:s22], $0x2FFFF;
	_ =	strace $0x9FFFFFFF  }
0xd1: {  	(tm) =	ssettm $0x7FFFFFFF  }
tec
execute0_lowered:
.L_overlay_start_1:
0x0: {  	(tag) =	ssettag $0x1  }
0x1: {  	s1 =	srdreg.scid;
	s0 =	stileid.u32  }
0x2: {  	s14 =	sand.u32 $0x1, s1;
	s26 =	sshll.u32 s0, $0x1  }
0x3: {  	s8 =	rddreg [dreg:$0x0];
	s9 =	sor.u32 s14, s26  }
0x4: {  	s13 =	rddreg [dreg:$0x1];
	s15 =	smul.u32 $0xA00, s9  }
0x5: {  	s2 =	simm.s32 $0x0;
	s1 =	rddreg [dreg:$0x2]  }
0x6: {  	[smem:$0x7FF] =	sst s2;
	s3 =	sshrl.u32 s15, $0x3  }
0x7: {  	_ =	strace $0x80000050;
	s4 =	sadd.s32 s13, s3;
	s3 =	simm.s32 $0x2  }
0x8: {  	[tilespmem:s2], [sflag:$0x2] =	stream.linear.gather [hbm4b:s4+s2], $0x280, $0x38;
	[tilespmem:$0x14280] =	vst v63  }
0x9: {  	_ =	swait.ge [sflag:s3], $0x280  }
0xa: {  	s6 =	simm.s32 $0x280;
	[sflag:s3] =	ssyncset.done $0x0  }
0xb: {  	s7 =	simm.s32 $0x1;
	s5 =	sadd.s32 $0x6200, s8;
	[sflag:s3] =	ssyncadd.s32 $0xFFFFFD80  }
0xc: {  	[tilespmem:s6], [sflag:$0x1] =	stream.indirect.gather [hbm4b:s5+s6], $0x80, s2, s6, $0xb8;
	[tilespmem:$0x14280] =	vst v63  }
0xd: {  	s9 =	smul.u32 $0xA000, s9;
	_ =	swait.ge [sflag:s7], $0x14000  }
0xe: {  	s16 =	sadd.s32 $0x16E200, s8;
	[sflag:s7] =	ssyncset.done $0x0  }
0xf: {  	s8 =	sadd.s32 s16, s9;
	[sflag:s7] =	ssyncadd.s32 $0xFFFEC000  }
0x10: {  	[hbm4b:s8+s2] =	stream.linear.scatter [tilespmem:s6], [sflag:$0x2], $0x14000, $0x38;
	[tilespmem:$0x14280] =	vst v63  }
0x11: {  	s10 =	sadd.s32 $0x280, s15;
	_ =	swait.ge [sflag:s3], $0x14000  }
0x12: {  	s28 =	sshrl.u32 s10, $0x3;
	[sflag:s3] =	ssyncset.done $0x0  }
0x13: {  	s9 =	sadd.s32 s13, s28;
	[sflag:s3] =	ssyncadd.s32 $0xFFFEC000  }
0x14: {  	[tilespmem:s2], [sflag:$0x2] =	stream.linear.gather [hbm4b:s9+s2], $0x280, $0x38;
	[tilespmem:$0x14280] =	vst v63  }
0x15: {  	_ =	swait.ge [sflag:s3], $0x280  }
0x16: {  	[sflag:s3] =	ssyncset.done $0x0  }
0x17: {  	[sflag:s3] =	ssyncadd.s32 $0xFFFFFD80  }
0x18: {  	[tilespmem:s6], [sflag:$0x1] =	stream.indirect.gather [hbm4b:s5+s6], $0x80, s2, s6, $0xb8;
	[tilespmem:$0x14280] =	vst v63  }
0x19: {  	_ =	swait.ge [sflag:s7], $0x14000  }
0x1a: {  	s10 =	sshll.u32 s10, $0x4;
	[sflag:s7] =	ssyncset.done $0x0  }
0x1b: {  	s10 =	sadd.s32 s16, s10;
	[sflag:s7] =	ssyncadd.s32 $0xFFFEC000  }
0x1c: {  	[hbm4b:s10+s2] =	stream.linear.scatter [tilespmem:s6], [sflag:$0x2], $0x14000, $0x38;
	[tilespmem:$0x14280] =	vst v63  }
0x1d: {  	s12 =	sadd.s32 $0x500, s15;
	_ =	swait.ge [sflag:s3], $0x14000  }
0x1e: {  	s11 =	sshrl.u32 s12, $0x3;
	[sflag:s3] =	ssyncset.done $0x0  }
0x1f: {  	s11 =	sadd.s32 s13, s11;
	[sflag:s3] =	ssyncadd.s32 $0xFFFEC000  }
0x20: {  	[tilespmem:s2], [sflag:$0x2] =	stream.linear.gather [hbm4b:s11+s2], $0x280, $0x38;
	[tilespmem:$0x14280] =	vst v63  }
0x21: {  	_ =	swait.ge [sflag:s3], $0x280  }
0x22: {  	[sflag:s3] =	ssyncset.done $0x0  }
0x23: {  	[sflag:s3] =	ssyncadd.s32 $0xFFFFFD80  }
0x24: {  	[tilespmem:s6], [sflag:$0x1] =	stream.indirect.gather [hbm4b:s5+s6], $0x80, s2, s6, $0xb8;
	[tilespmem:$0x14280] =	vst v63  }
0x25: {  	_ =	swait.ge [sflag:s7], $0x14000  }
0x26: {  	s12 =	sshll.u32 s12, $0x4;
	[sflag:s7] =	ssyncset.done $0x0  }
0x27: {  	s12 =	sadd.s32 s16, s12;
	[sflag:s7] =	ssyncadd.s32 $0xFFFEC000  }
0x28: {  	[hbm4b:s12+s2] =	stream.linear.scatter [tilespmem:s6], [sflag:$0x2], $0x14000, $0x38;
	[tilespmem:$0x14280] =	vst v63  }
0x29: {  	s15 =	sadd.s32 $0x780, s15;
	_ =	swait.ge [sflag:s3], $0x14000  }
0x2a: {  	s17 =	sshrl.u32 s15, $0x3;
	[sflag:s3] =	ssyncset.done $0x0  }
0x2b: {  	s14 =	ssub.s32 $0x2, s14;
	s13 =	sadd.s32 s13, s17;
	[sflag:s3] =	ssyncadd.s32 $0xFFFEC000  }
0x2c: {  	[tilespmem:s2], [sflag:$0x2] =	stream.linear.gather [hbm4b:s13+s2], $0x280, $0x38;
	[tilespmem:$0x14280] =	vst v63  }
0x2d: {  	s29 =	sshrl.u32 s14, $0x1;
	_ =	swait.ge [sflag:s3], $0x280  }
0x2e: {  	s17 =	ssub.s32 s14, s29;
	[sflag:s3] =	ssyncset.done $0x0  }
0x2f: {  	s31 =	smax.u32 s17, $0x1;
	[sflag:s3] =	ssyncadd.s32 $0xFFFFFD80  }
0x30: {  	[tilespmem:s6], [sflag:$0x1] =	stream.indirect.gather [hbm4b:s5+s6], $0x80, s2, s6, $0xb8;
	[tilespmem:$0x14280] =	vst v63  }
0x31: {  	p0 =	sne.s32 s31, $0x1;
	_ =	swait.ge [sflag:s7], $0x14000  }
.Ltmp0:
0x32: {  	s30 =	sshll.u32 s15, $0x4;
	[sflag:s7] =	ssyncset.done $0x0;
	(pc) =	sbr.rel @!p0 .LBB2_2-.Ltmp0, $4  }
0x33: {  	s14 =	sadd.s32 s16, s30;
	[sflag:s7] =	ssyncadd.s32 $0xFFFEC000  }
0x34: {  	[hbm4b:s14+s2] =	stream.linear.scatter [tilespmem:s6], [sflag:$0x2], $0x14000, $0x38;
	[tilespmem:$0x14280] =	vst v63  }
0x35: {  	_ =	swait.ge [sflag:s3], $0x14000  }
0x36: {  	s15 =	sadd.s32 $0xFFFFFFFF, s31;
	[sflag:s3] =	ssyncset.done $0x0  }
.LBB2_1:
0x37: {  	p0 =	sne.s32 s15, $0x1;
	s15 =	sadd.s32 $0xFFFFFFFF, s15;
	[sflag:s3] =	ssyncadd.s32 $0xFFFEC000  }
0x38: {  	[tilespmem:s2], [sflag:$0x2] =	stream.linear.gather [hbm4b:s4+s2], $0x280, $0x38;
	[tilespmem:$0x14280] =	vst v63  }
0x39: {  	_ =	swait.ge [sflag:s3], $0x280  }
0x3a: {  	[sflag:s3] =	ssyncset.done $0x0  }
0x3b: {  	[sflag:s3] =	ssyncadd.s32 $0xFFFFFD80  }
0x3c: {  	[tilespmem:s6], [sflag:$0x1] =	stream.indirect.gather [hbm4b:s5+s6], $0x80, s2, s6, $0xb8;
	[tilespmem:$0x14280] =	vst v63  }
0x3d: {  	_ =	swait.ge [sflag:s7], $0x14000  }
0x3e: {  	[sflag:s7] =	ssyncset.done $0x0  }
0x3f: {  	[sflag:s7] =	ssyncadd.s32 $0xFFFEC000  }
0x40: {  	[hbm4b:s8+s2] =	stream.linear.scatter [tilespmem:s6], [sflag:$0x2], $0x14000, $0x38;
	[tilespmem:$0x14280] =	vst v63  }
0x41: {  	_ =	swait.ge [sflag:s3], $0x14000  }
0x42: {  	[sflag:s3] =	ssyncset.done $0x0  }
0x43: {  	[sflag:s3] =	ssyncadd.s32 $0xFFFEC000  }
0x44: {  	[tilespmem:s2], [sflag:$0x2] =	stream.linear.gather [hbm4b:s9+s2], $0x280, $0x38;
	[tilespmem:$0x14280] =	vst v63  }
0x45: {  	_ =	swait.ge [sflag:s3], $0x280  }
0x46: {  	[sflag:s3] =	ssyncset.done $0x0  }
0x47: {  	[sflag:s3] =	ssyncadd.s32 $0xFFFFFD80  }
0x48: {  	[tilespmem:s6], [sflag:$0x1] =	stream.indirect.gather [hbm4b:s5+s6], $0x80, s2, s6, $0xb8;
	[tilespmem:$0x14280] =	vst v63  }
0x49: {  	_ =	swait.ge [sflag:s7], $0x14000  }
0x4a: {  	[sflag:s7] =	ssyncset.done $0x0  }
0x4b: {  	[sflag:s7] =	ssyncadd.s32 $0xFFFEC000  }
0x4c: {  	[hbm4b:s10+s2] =	stream.linear.scatter [tilespmem:s6], [sflag:$0x2], $0x14000, $0x38;
	[tilespmem:$0x14280] =	vst v63  }
0x4d: {  	_ =	swait.ge [sflag:s3], $0x14000  }
0x4e: {  	[sflag:s3] =	ssyncset.done $0x0  }
0x4f: {  	[sflag:s3] =	ssyncadd.s32 $0xFFFEC000  }
0x50: {  	[tilespmem:s2], [sflag:$0x2] =	stream.linear.gather [hbm4b:s11+s2], $0x280, $0x38;
	[tilespmem:$0x14280] =	vst v63  }
0x51: {  	_ =	swait.ge [sflag:s3], $0x280  }
0x52: {  	[sflag:s3] =	ssyncset.done $0x0  }
0x53: {  	[sflag:s3] =	ssyncadd.s32 $0xFFFFFD80  }
0x54: {  	[tilespmem:s6], [sflag:$0x1] =	stream.indirect.gather [hbm4b:s5+s6], $0x80, s2, s6, $0xb8;
	[tilespmem:$0x14280] =	vst v63  }
0x55: {  	_ =	swait.ge [sflag:s7], $0x14000  }
0x56: {  	[sflag:s7] =	ssyncset.done $0x0  }
0x57: {  	[sflag:s7] =	ssyncadd.s32 $0xFFFEC000  }
0x58: {  	[hbm4b:s12+s2] =	stream.linear.scatter [tilespmem:s6], [sflag:$0x2], $0x14000, $0x38;
	[tilespmem:$0x14280] =	vst v63  }
0x59: {  	_ =	swait.ge [sflag:s3], $0x14000  }
0x5a: {  	[sflag:s3] =	ssyncset.done $0x0  }
0x5b: {  	[sflag:s3] =	ssyncadd.s32 $0xFFFEC000  }
0x5c: {  	[tilespmem:s2], [sflag:$0x2] =	stream.linear.gather [hbm4b:s13+s2], $0x280, $0x38;
	[tilespmem:$0x14280] =	vst v63  }
0x5d: {  	_ =	swait.ge [sflag:s3], $0x280  }
0x5e: {  	[sflag:s3] =	ssyncset.done $0x0  }
0x5f: {  	[sflag:s3] =	ssyncadd.s32 $0xFFFFFD80  }
0x60: {  	[tilespmem:s6], [sflag:$0x1] =	stream.indirect.gather [hbm4b:s5+s6], $0x80, s2, s6, $0xb8;
	[tilespmem:$0x14280] =	vst v63  }
0x61: {  	_ =	swait.ge [sflag:s7], $0x14000  }
.Ltmp1:
0x62: {  	[sflag:s7] =	ssyncset.done $0x0;
	(pc) =	sbr.rel @p0 .LBB2_1-.Ltmp1, $4  }
0x63: {  	[sflag:s7] =	ssyncadd.s32 $0xFFFEC000  }
0x64: {  	[hbm4b:s14+s2] =	stream.linear.scatter [tilespmem:s6], [sflag:$0x2], $0x14000, $0x38;
	[tilespmem:$0x14280] =	vst v63  }
0x65: {  	_ =	swait.ge [sflag:s3], $0x14000  }
0x66: {  	[sflag:s3] =	ssyncset.done $0x0  }
.LBB2_2:
0x67: {  	[sflag:s3] =	ssyncadd.s32 $0xFFFEC000  }
0x68: {  	_ =	sfence.sel $0x180000  }
0x69: {  	[bflag:$0x0] =	sbarrier.arrive $0xFFFF  }
0x6a: {  	p0 =	sne.s32 s0, $0x0;
	_ =	strace $0x90000050  }
0x6b: {  	s0 =	sadd.s32 @!p0 $0x100000, s1;
	[bflag:$0x2] =	sbarrier.arrive $0xFFFF  }
0x6c: {  	[sflag:s0] =	ssyncadd.tile.s32 @!p0 $0x1;
	_ =	shalt  }
.Lfunc_end2:
_tile_overlayer_lowered:
.L_overlay_start_2:
0x6d: {  	(tag) =	ssettag $0x2  }
0x6e: {  	s0 =	rddreg [dreg:$0x0];
	s2 =	stileid.u32  }
0x6f: {  	s1 =	rddreg [dreg:$0x1];
	p0 =	sne.s32 s2, $0x0  }
0x70: {  	s3 =	rddreg [dreg:$0x2];
	[bflag:$0x3] =	sbarrier.arrive $0xFFFF;
	s2 =	simm.s32 @!p0 $0x1C02  }
0x71: {  	[timem:s3], [sflag:s2] =	dma.local @!p0 [hbm:s0], s1  }
0x72: {  	s0 =	simm.s32 @!p0 $0x2  }
0x73: {  	_ =	swait.ge @!p0 [sflag:s0], s1  }
0x74: {  	s1 =	ssub.s32 @!p0 $0x0, s1;
	[sflag:s0] =	ssyncset.done @!p0 $0x0  }
0x75: {  	[sflag:s0] =	ssyncadd.s32 @!p0 s1  }
0x76: {  	[bflag:$0x3] =	sbarrier.arrive $0xFFFF  }
0x77: {  	_ =	shalt  }

</sc_bundles>
